<compile_context>
chip_gen: v7x
topology: tpu7x:2x2x1
jax: 0.10.2.dev20260603
libtpu: 0.0.44.dev20260713+nightly
codegen_flags: <defaults>
</compile_context>

<pallas_src>
import functools

import jax
import jax.numpy as jnp
from jax import lax
from jax.experimental import pallas as pl
from jax.experimental.pallas import tpu as pltpu
from jax.experimental.pallas import tpu_sc as plsc

NUM_VE = 6
VOCAB = 100000
KV_DIM = 128
NIDS = 4 * 2048
NUM_CORES = 2
NUM_SUBCORES = 16
NW = NUM_CORES * NUM_SUBCORES
IDS_PER_W = NIDS // NW
CHUNK = 128
NCHUNK = IDS_PER_W // CHUNK
NCHUNKS_TOTAL = NUM_VE * NCHUNK
RING = 6
LANES = 16


def _make_kernel():
    mesh = plsc.VectorSubcoreMesh(core_axis_name="c", subcore_axis_name="s")

    @functools.partial(
        pl.kernel,
        mesh=mesh,
        out_type=jax.ShapeDtypeStruct((NUM_VE * NIDS, KV_DIM), jnp.float32),
        scratch_types=[
            pltpu.VMEM((IDS_PER_W,), jnp.int32),
            pltpu.VMEM((NCHUNKS_TOTAL, CHUNK), jnp.int32),
        ]
        + [pltpu.VMEM((CHUNK, KV_DIM), jnp.float32) for _ in range(RING)]
        + [pltpu.SemaphoreType.DMA for _ in range(2 * RING)],
    )
    def ve_gather(tables_hbm, ids_hbm, out_hbm, ids_v, idx_v, *bufs_and_sems):
        rows = list(bufs_and_sems[:RING])
        sg = list(bufs_and_sems[RING:2 * RING])
        sw = list(bufs_and_sems[2 * RING:])
        wid = lax.axis_index("s") * NUM_CORES + lax.axis_index("c")
        base = wid * IDS_PER_W
        pltpu.sync_copy(ids_hbm.at[pl.ds(base, IDS_PER_W)], ids_v)

        def compute_idx(layer):
            off = layer * VOCAB
            for j in range(NCHUNK):
                for i in range(CHUNK // LANES):
                    idx_v[layer * NCHUNK + j, pl.ds(i * LANES, LANES)] = (
                        ids_v[pl.ds(j * CHUNK + i * LANES, LANES)] + off
                    )

        def fire_gather(c, b):
            pltpu.async_copy(tables_hbm.at[idx_v.at[c]], rows[b], sg[b])

        def wait_gather(b):
            pltpu.make_async_copy(
                tables_hbm.at[pl.ds(0, CHUNK)], rows[b], sg[b]).wait()

        def out_off(c):
            return (c // NCHUNK) * NIDS + (c % NCHUNK) * CHUNK + base

        def fire_write(c, b):
            pltpu.async_copy(rows[b], out_hbm.at[pl.ds(out_off(c), CHUNK)], sw[b])

        def wait_write(b):
            pltpu.make_async_copy(
                rows[b], out_hbm.at[pl.ds(0, CHUNK)], sw[b]).wait()

        for layer in range(RING // NCHUNK):
            compute_idx(layer)
            for j in range(NCHUNK):
                c = layer * NCHUNK + j
                fire_gather(c, c)

        def idx_body(layer, carry):
            compute_idx_dyn(layer)
            return carry

        def compute_idx_dyn(layer):
            compute_idx(layer)

        lax.fori_loop(RING // NCHUNK, NUM_VE, idx_body, 0, unroll=False)

        def ring_body(g, carry):
            for b in range(RING):
                c = g * RING + b
                wait_gather(b)
                fire_write(c, b)

                @pl.when(g < NCHUNKS_TOTAL // RING - 1)
                def _refill():
                    wait_write(b)
                    fire_gather(c + RING, b)
            return carry
        lax.fori_loop(0, NCHUNKS_TOTAL // RING, ring_body, 0, unroll=False)

        for b in range(RING):
            wait_write(b)

    return ve_gather


_ve_gather = _make_kernel()


def kernel(x, ve_tables, input_ids):
    tables_flat = ve_tables.reshape(NUM_VE * VOCAB, KV_DIM)
    ids_flat = input_ids.reshape(NIDS)
    out = _ve_gather(tables_flat, ids_flat)
    B, T = input_ids.shape
    return out.reshape(NUM_VE, B, T, KV_DIM).astype(x.dtype)

# --- scband reference (transcript-rebuilt; emitter-appended) ---
"""Pipeline reference for scband-value-embeddings-88794153877980 (READ-ONLY COPY).

The authoritative reference and input builder live on the scoring server;
editing this copy changes nothing except your own understanding.
"""

import jax, jax.numpy as jnp
import numpy as np

NUM_LAYERS = 12
VOCAB = 100000
KV_DIM = 128
B = 4
T = 2048
D_MODEL = 2048
# layers with value embeddings: layer_idx % 2 == 1
VE_LAYER_IDS = [i for i in range(NUM_LAYERS) if i % 2 == 1]
NUM_VE = len(VE_LAYER_IDS)


def setup_inputs(seed: int = 0) -> dict:
    key = jax.random.key(seed)
    k1, k2, k3 = jax.random.split(key, 3)
    x = jax.random.normal(k1, (B, T, D_MODEL), dtype=jnp.float32)
    input_ids = jax.random.randint(k2, (B, T), 0, VOCAB, dtype=jnp.int32)
    # CPU-resident per-layer value-embedding tables, stacked along layer axis
    ve_tables = jax.random.normal(k3, (NUM_VE, VOCAB, KV_DIM), dtype=jnp.float32) * 0.02
    return {"x": x, "ve_tables": ve_tables, "input_ids": input_ids}


def reference(x, ve_tables, input_ids):
    # Faithful translation of ValueEmbeddings.forward: for every VE layer do
    # F.embedding(input_ids, weight), then cast to x.dtype. The torch module
    # stashes the (num_ve_layers, B, T, kv_dim) result in params['_nc_ve_all'];
    # here we return that stacked tensor directly (x passes through unchanged).
    ve_all = jnp.take(ve_tables, input_ids, axis=1)  # (NUM_VE, B, T, KV_DIM)
    ve_all = ve_all.astype(x.dtype)
    return ve_all

if __name__ == "__main__":
    import jax
    _d = setup_inputs()
    print(jax.jit(kernel)(*tuple(_d.values())))

</pallas_src>

<mosaic_0001>
#map = affine_map<(d0, d1) -> (0, 0)>
#map1 = affine_map<(d0, d1) -> (0)>
module attributes {stable_mosaic.version = 14 : i64} {
  func.func @ve_gather(%arg0: i32, %arg1: i32, %arg2: memref<600000x128xf32, #tpu.memory_space<hbm>>, %arg3: memref<8192xi32, #tpu.memory_space<hbm>>, %arg4: memref<49152x128xf32, #tpu.memory_space<hbm>>, %arg5: memref<256xi32, #tpu.memory_space<vmem>>, %arg6: memref<12x128xi32, #tpu.memory_space<vmem>>, %arg7: memref<128x128xf32, #tpu.memory_space<vmem>>, %arg8: memref<128x128xf32, #tpu.memory_space<vmem>>, %arg9: memref<128x128xf32, #tpu.memory_space<vmem>>, %arg10: memref<128x128xf32, #tpu.memory_space<vmem>>, %arg11: memref<128x128xf32, #tpu.memory_space<vmem>>, %arg12: memref<128x128xf32, #tpu.memory_space<vmem>>, %arg13: memref<!tpu.dma_semaphore, #tpu.memory_space<semaphore_mem>>, %arg14: memref<!tpu.dma_semaphore, #tpu.memory_space<semaphore_mem>>, %arg15: memref<!tpu.dma_semaphore, #tpu.memory_space<semaphore_mem>>, %arg16: memref<!tpu.dma_semaphore, #tpu.memory_space<semaphore_mem>>, %arg17: memref<!tpu.dma_semaphore, #tpu.memory_space<semaphore_mem>>, %arg18: memref<!tpu.dma_semaphore, #tpu.memory_space<semaphore_mem>>, %arg19: memref<!tpu.dma_semaphore, #tpu.memory_space<semaphore_mem>>, %arg20: memref<!tpu.dma_semaphore, #tpu.memory_space<semaphore_mem>>, %arg21: memref<!tpu.dma_semaphore, #tpu.memory_space<semaphore_mem>>, %arg22: memref<!tpu.dma_semaphore, #tpu.memory_space<semaphore_mem>>, %arg23: memref<!tpu.dma_semaphore, #tpu.memory_space<semaphore_mem>>, %arg24: memref<!tpu.dma_semaphore, #tpu.memory_space<semaphore_mem>>) attributes {dimension_semantics = [#tpu.dimension_semantics<core_parallel>, #tpu.dimension_semantics<subcore_parallel>], iteration_bounds = array<i64: 2, 16>, scalar_prefetch = 0 : i64, scratch_operands = 20 : i64, tpu.core_type = #tpu.core_type<sc_vector_subcore>, window_params = [{transform_indices = #map}, {transform_indices = #map1}, {transform_indices = #map}]} {
    %mul3A = arith.constant 2 : i32
    %mul3A_0 = arith.muli %arg1, %mul3A : i32
    %add3A = arith.addi %mul3A_0, %arg0 : i32
    %mul3A_1 = arith.constant 256 : i32
    %mul3A_2 = arith.muli %add3A, %mul3A_1 : i32
    "tpu.region"() ({
      %run_scoped3A = tpu.sem_alloc : memref<!tpu.dma_semaphore, #tpu.memory_space<semaphore_mem>>
      %dma_start3A_664 = tpu.memref_slice %arg3[%mul3A_2] : memref<8192xi32, #tpu.memory_space<hbm>> -> memref<256xi32, #tpu.memory_space<hbm>>
      %dma_start3A_665 = tpu.memref_slice %arg3[%mul3A_2] : memref<8192xi32, #tpu.memory_space<hbm>> -> memref<256xi32, #tpu.memory_space<hbm>>
      tpu.enqueue_dma source(%dma_start3A_665 : memref<256xi32, #tpu.memory_space<hbm>>) target(%arg5 : memref<256xi32, #tpu.memory_space<vmem>>) target_semaphore(%run_scoped3A : memref<!tpu.dma_semaphore, #tpu.memory_space<semaphore_mem>>)
      %dma_wait3A_666 = tpu.memref_slice %arg3[%mul3A_2] : memref<8192xi32, #tpu.memory_space<hbm>> -> memref<256xi32, #tpu.memory_space<hbm>>
      %dma_wait3A_667 = tpu.memref_slice %arg3[%mul3A_2] : memref<8192xi32, #tpu.memory_space<hbm>> -> memref<256xi32, #tpu.memory_space<hbm>>
      tpu.wait_dma2 semaphore(%run_scoped3A : memref<!tpu.dma_semaphore, #tpu.memory_space<semaphore_mem>>) src(%dma_wait3A_667 : memref<256xi32, #tpu.memory_space<hbm>>) dst(%arg5 : memref<256xi32, #tpu.memory_space<vmem>>)
      tpu.yield
    }) : () -> ()
    %get3A = arith.constant 0 : index
    %get3A_3 = tpu.vector_load %arg5[%get3A] {strides = array<i32>} : memref<256xi32, #tpu.memory_space<vmem>>, vector<16xi32>,
    %get3A_4 = vector.shape_cast %get3A_3 : vector<16xi32> to vector<16xi32>
    %add3A_5 = arith.constant 0 : i32
    %add3A_6 = vector.broadcast %add3A_5 : i32 to vector<16xi32>
    %add3A_7 = arith.addi %get3A_4, %add3A_6 : vector<16xi32>
    %swap3A = arith.constant 0 : i32
    %swap3A_8 = arith.index_cast %swap3A : i32 to index
    %swap3A_9 = arith.constant 0 : index
    %swap3A_10 = tpu.vector_load %arg6[%swap3A_8, %swap3A_9] {strides = array<i32>} : memref<12x128xi32, #tpu.memory_space<vmem>>, vector<1x16xi32>,
    %swap3A_11 = vector.shape_cast %swap3A_10 : vector<1x16xi32> to vector<16xi32>
    %swap3A_12 = vector.shape_cast %add3A_7 : vector<16xi32> to vector<1x16xi32>
    tpu.vector_store %arg6[%swap3A_8, %swap3A_9], %swap3A_12 {strides = array<i32>} : memref<12x128xi32, #tpu.memory_space<vmem>>, vector<1x16xi32>,
    %get3A_13 = arith.constant 16 : index
    %get3A_14 = tpu.vector_load %arg5[%get3A_13] {strides = array<i32>} : memref<256xi32, #tpu.memory_space<vmem>>, vector<16xi32>,
    %get3A_15 = vector.shape_cast %get3A_14 : vector<16xi32> to vector<16xi32>
    %add3A_16 = arith.constant 0 : i32
    %add3A_17 = vector.broadcast %add3A_16 : i32 to vector<16xi32>
    %add3A_18 = arith.addi %get3A_15, %add3A_17 : vector<16xi32>
    %swap3A_19 = arith.constant 0 : i32
    %swap3A_20 = arith.index_cast %swap3A_19 : i32 to index
    %swap3A_21 = arith.constant 16 : index
    %swap3A_22 = tpu.vector_load %arg6[%swap3A_20, %swap3A_21] {strides = array<i32>} : memref<12x128xi32, #tpu.memory_space<vmem>>, vector<1x16xi32>,
    %swap3A_23 = vector.shape_cast %swap3A_22 : vector<1x16xi32> to vector<16xi32>
    %swap3A_24 = vector.shape_cast %add3A_18 : vector<16xi32> to vector<1x16xi32>
    tpu.vector_store %arg6[%swap3A_20, %swap3A_21], %swap3A_24 {strides = array<i32>} : memref<12x128xi32, #tpu.memory_space<vmem>>, vector<1x16xi32>,
    %get3A_25 = arith.constant 32 : index
    %get3A_26 = tpu.vector_load %arg5[%get3A_25] {strides = array<i32>} : memref<256xi32, #tpu.memory_space<vmem>>, vector<16xi32>,
    %get3A_27 = vector.shape_cast %get3A_26 : vector<16xi32> to vector<16xi32>
    %add3A_28 = arith.constant 0 : i32
    %add3A_29 = vector.broadcast %add3A_28 : i32 to vector<16xi32>
    %add3A_30 = arith.addi %get3A_27, %add3A_29 : vector<16xi32>
    %swap3A_31 = arith.constant 0 : i32
    %swap3A_32 = arith.index_cast %swap3A_31 : i32 to index
    %swap3A_33 = arith.constant 32 : index
    %swap3A_34 = tpu.vector_load %arg6[%swap3A_32, %swap3A_33] {strides = array<i32>} : memref<12x128xi32, #tpu.memory_space<vmem>>, vector<1x16xi32>,
    %swap3A_35 = vector.shape_cast %swap3A_34 : vector<1x16xi32> to vector<16xi32>
    %swap3A_36 = vector.shape_cast %add3A_30 : vector<16xi32> to vector<1x16xi32>
    tpu.vector_store %arg6[%swap3A_32, %swap3A_33], %swap3A_36 {strides = array<i32>} : memref<12x128xi32, #tpu.memory_space<vmem>>, vector<1x16xi32>,
    %get3A_37 = arith.constant 48 : index
    %get3A_38 = tpu.vector_load %arg5[%get3A_37] {strides = array<i32>} : memref<256xi32, #tpu.memory_space<vmem>>, vector<16xi32>,
    %get3A_39 = vector.shape_cast %get3A_38 : vector<16xi32> to vector<16xi32>
    %add3A_40 = arith.constant 0 : i32
    %add3A_41 = vector.broadcast %add3A_40 : i32 to vector<16xi32>
    %add3A_42 = arith.addi %get3A_39, %add3A_41 : vector<16xi32>
    %swap3A_43 = arith.constant 0 : i32
    %swap3A_44 = arith.index_cast %swap3A_43 : i32 to index
    %swap3A_45 = arith.constant 48 : index
    %swap3A_46 = tpu.vector_load %arg6[%swap3A_44, %swap3A_45] {strides = array<i32>} : memref<12x128xi32, #tpu.memory_space<vmem>>, vector<1x16xi32>,
    %swap3A_47 = vector.shape_cast %swap3A_46 : vector<1x16xi32> to vector<16xi32>
    %swap3A_48 = vector.shape_cast %add3A_42 : vector<16xi32> to vector<1x16xi32>
    tpu.vector_store %arg6[%swap3A_44, %swap3A_45], %swap3A_48 {strides = array<i32>} : memref<12x128xi32, #tpu.memory_space<vmem>>, vector<1x16xi32>,
    %get3A_49 = arith.constant 64 : index
    %get3A_50 = tpu.vector_load %arg5[%get3A_49] {strides = array<i32>} : memref<256xi32, #tpu.memory_space<vmem>>, vector<16xi32>,
    %get3A_51 = vector.shape_cast %get3A_50 : vector<16xi32> to vector<16xi32>
    %add3A_52 = arith.constant 0 : i32
    %add3A_53 = vector.broadcast %add3A_52 : i32 to vector<16xi32>
    %add3A_54 = arith.addi %get3A_51, %add3A_53 : vector<16xi32>
    %swap3A_55 = arith.constant 0 : i32
    %swap3A_56 = arith.index_cast %swap3A_55 : i32 to index
    %swap3A_57 = arith.constant 64 : index
    %swap3A_58 = tpu.vector_load %arg6[%swap3A_56, %swap3A_57] {strides = array<i32>} : memref<12x128xi32, #tpu.memory_space<vmem>>, vector<1x16xi32>,
    %swap3A_59 = vector.shape_cast %swap3A_58 : vector<1x16xi32> to vector<16xi32>
    %swap3A_60 = vector.shape_cast %add3A_54 : vector<16xi32> to vector<1x16xi32>
    tpu.vector_store %arg6[%swap3A_56, %swap3A_57], %swap3A_60 {strides = array<i32>} : memref<12x128xi32, #tpu.memory_space<vmem>>, vector<1x16xi32>,
    %get3A_61 = arith.constant 80 : index
    %get3A_62 = tpu.vector_load %arg5[%get3A_61] {strides = array<i32>} : memref<256xi32, #tpu.memory_space<vmem>>, vector<16xi32>,
    %get3A_63 = vector.shape_cast %get3A_62 : vector<16xi32> to vector<16xi32>
    %add3A_64 = arith.constant 0 : i32
    %add3A_65 = vector.broadcast %add3A_64 : i32 to vector<16xi32>
    %add3A_66 = arith.addi %get3A_63, %add3A_65 : vector<16xi32>
    %swap3A_67 = arith.constant 0 : i32
    %swap3A_68 = arith.index_cast %swap3A_67 : i32 to index
    %swap3A_69 = arith.constant 80 : index
    %swap3A_70 = tpu.vector_load %arg6[%swap3A_68, %swap3A_69] {strides = array<i32>} : memref<12x128xi32, #tpu.memory_space<vmem>>, vector<1x16xi32>,
    %swap3A_71 = vector.shape_cast %swap3A_70 : vector<1x16xi32> to vector<16xi32>
    %swap3A_72 = vector.shape_cast %add3A_66 : vector<16xi32> to vector<1x16xi32>
    tpu.vector_store %arg6[%swap3A_68, %swap3A_69], %swap3A_72 {strides = array<i32>} : memref<12x128xi32, #tpu.memory_space<vmem>>, vector<1x16xi32>,
    %get3A_73 = arith.constant 96 : index
    %get3A_74 = tpu.vector_load %arg5[%get3A_73] {strides = array<i32>} : memref<256xi32, #tpu.memory_space<vmem>>, vector<16xi32>,
    %get3A_75 = vector.shape_cast %get3A_74 : vector<16xi32> to vector<16xi32>
    %add3A_76 = arith.constant 0 : i32
    %add3A_77 = vector.broadcast %add3A_76 : i32 to vector<16xi32>
    %add3A_78 = arith.addi %get3A_75, %add3A_77 : vector<16xi32>
    %swap3A_79 = arith.constant 0 : i32
    %swap3A_80 = arith.index_cast %swap3A_79 : i32 to index
    %swap3A_81 = arith.constant 96 : index
    %swap3A_82 = tpu.vector_load %arg6[%swap3A_80, %swap3A_81] {strides = array<i32>} : memref<12x128xi32, #tpu.memory_space<vmem>>, vector<1x16xi32>,
    %swap3A_83 = vector.shape_cast %swap3A_82 : vector<1x16xi32> to vector<16xi32>
    %swap3A_84 = vector.shape_cast %add3A_78 : vector<16xi32> to vector<1x16xi32>
    tpu.vector_store %arg6[%swap3A_80, %swap3A_81], %swap3A_84 {strides = array<i32>} : memref<12x128xi32, #tpu.memory_space<vmem>>, vector<1x16xi32>,
    %get3A_85 = arith.constant 112 : index
    %get3A_86 = tpu.vector_load %arg5[%get3A_85] {strides = array<i32>} : memref<256xi32, #tpu.memory_space<vmem>>, vector<16xi32>,
    %get3A_87 = vector.shape_cast %get3A_86 : vector<16xi32> to vector<16xi32>
    %add3A_88 = arith.constant 0 : i32
    %add3A_89 = vector.broadcast %add3A_88 : i32 to vector<16xi32>
    %add3A_90 = arith.addi %get3A_87, %add3A_89 : vector<16xi32>
    %swap3A_91 = arith.constant 0 : i32
    %swap3A_92 = arith.index_cast %swap3A_91 : i32 to index
    %swap3A_93 = arith.constant 112 : index
    %swap3A_94 = tpu.vector_load %arg6[%swap3A_92, %swap3A_93] {strides = array<i32>} : memref<12x128xi32, #tpu.memory_space<vmem>>, vector<1x16xi32>,
    %swap3A_95 = vector.shape_cast %swap3A_94 : vector<1x16xi32> to vector<16xi32>
    %swap3A_96 = vector.shape_cast %add3A_90 : vector<16xi32> to vector<1x16xi32>
    tpu.vector_store %arg6[%swap3A_92, %swap3A_93], %swap3A_96 {strides = array<i32>} : memref<12x128xi32, #tpu.memory_space<vmem>>, vector<1x16xi32>,
    %get3A_97 = arith.constant 128 : index
    %get3A_98 = tpu.vector_load %arg5[%get3A_97] {strides = array<i32>} : memref<256xi32, #tpu.memory_space<vmem>>, vector<16xi32>,
    %get3A_99 = vector.shape_cast %get3A_98 : vector<16xi32> to vector<16xi32>
    %add3A_100 = arith.constant 0 : i32
    %add3A_101 = vector.broadcast %add3A_100 : i32 to vector<16xi32>
    %add3A_102 = arith.addi %get3A_99, %add3A_101 : vector<16xi32>
    %swap3A_103 = arith.constant 1 : i32
    %swap3A_104 = arith.index_cast %swap3A_103 : i32 to index
    %swap3A_105 = arith.constant 0 : index
    %swap3A_106 = tpu.vector_load %arg6[%swap3A_104, %swap3A_105] {strides = array<i32>} : memref<12x128xi32, #tpu.memory_space<vmem>>, vector<1x16xi32>,
    %swap3A_107 = vector.shape_cast %swap3A_106 : vector<1x16xi32> to vector<16xi32>
    %swap3A_108 = vector.shape_cast %add3A_102 : vector<16xi32> to vector<1x16xi32>
    tpu.vector_store %arg6[%swap3A_104, %swap3A_105], %swap3A_108 {strides = array<i32>} : memref<12x128xi32, #tpu.memory_space<vmem>>, vector<1x16xi32>,
    %get3A_109 = arith.constant 144 : index
    %get3A_110 = tpu.vector_load %arg5[%get3A_109] {strides = array<i32>} : memref<256xi32, #tpu.memory_space<vmem>>, vector<16xi32>,
    %get3A_111 = vector.shape_cast %get3A_110 : vector<16xi32> to vector<16xi32>
    %add3A_112 = arith.constant 0 : i32
    %add3A_113 = vector.broadcast %add3A_112 : i32 to vector<16xi32>
    %add3A_114 = arith.addi %get3A_111, %add3A_113 : vector<16xi32>
    %swap3A_115 = arith.constant 1 : i32
    %swap3A_116 = arith.index_cast %swap3A_115 : i32 to index
    %swap3A_117 = arith.constant 16 : index
    %swap3A_118 = tpu.vector_load %arg6[%swap3A_116, %swap3A_117] {strides = array<i32>} : memref<12x128xi32, #tpu.memory_space<vmem>>, vector<1x16xi32>,
    %swap3A_119 = vector.shape_cast %swap3A_118 : vector<1x16xi32> to vector<16xi32>
    %swap3A_120 = vector.shape_cast %add3A_114 : vector<16xi32> to vector<1x16xi32>
    tpu.vector_store %arg6[%swap3A_116, %swap3A_117], %swap3A_120 {strides = array<i32>} : memref<12x128xi32, #tpu.memory_space<vmem>>, vector<1x16xi32>,
    %get3A_121 = arith.constant 160 : index
    %get3A_122 = tpu.vector_load %arg5[%get3A_121] {strides = array<i32>} : memref<256xi32, #tpu.memory_space<vmem>>, vector<16xi32>,
    %get3A_123 = vector.shape_cast %get3A_122 : vector<16xi32> to vector<16xi32>
    %add3A_124 = arith.constant 0 : i32
    %add3A_125 = vector.broadcast %add3A_124 : i32 to vector<16xi32>
    %add3A_126 = arith.addi %get3A_123, %add3A_125 : vector<16xi32>
    %swap3A_127 = arith.constant 1 : i32
    %swap3A_128 = arith.index_cast %swap3A_127 : i32 to index
    %swap3A_129 = arith.constant 32 : index
    %swap3A_130 = tpu.vector_load %arg6[%swap3A_128, %swap3A_129] {strides = array<i32>} : memref<12x128xi32, #tpu.memory_space<vmem>>, vector<1x16xi32>,
    %swap3A_131 = vector.shape_cast %swap3A_130 : vector<1x16xi32> to vector<16xi32>
    %swap3A_132 = vector.shape_cast %add3A_126 : vector<16xi32> to vector<1x16xi32>
    tpu.vector_store %arg6[%swap3A_128, %swap3A_129], %swap3A_132 {strides = array<i32>} : memref<12x128xi32, #tpu.memory_space<vmem>>, vector<1x16xi32>,
    %get3A_133 = arith.constant 176 : index
    %get3A_134 = tpu.vector_load %arg5[%get3A_133] {strides = array<i32>} : memref<256xi32, #tpu.memory_space<vmem>>, vector<16xi32>,
    %get3A_135 = vector.shape_cast %get3A_134 : vector<16xi32> to vector<16xi32>
    %add3A_136 = arith.constant 0 : i32
    %add3A_137 = vector.broadcast %add3A_136 : i32 to vector<16xi32>
    %add3A_138 = arith.addi %get3A_135, %add3A_137 : vector<16xi32>
    %swap3A_139 = arith.constant 1 : i32
    %swap3A_140 = arith.index_cast %swap3A_139 : i32 to index
    %swap3A_141 = arith.constant 48 : index
    %swap3A_142 = tpu.vector_load %arg6[%swap3A_140, %swap3A_141] {strides = array<i32>} : memref<12x128xi32, #tpu.memory_space<vmem>>, vector<1x16xi32>,
    %swap3A_143 = vector.shape_cast %swap3A_142 : vector<1x16xi32> to vector<16xi32>
    %swap3A_144 = vector.shape_cast %add3A_138 : vector<16xi32> to vector<1x16xi32>
    tpu.vector_store %arg6[%swap3A_140, %swap3A_141], %swap3A_144 {strides = array<i32>} : memref<12x128xi32, #tpu.memory_space<vmem>>, vector<1x16xi32>,
    %get3A_145 = arith.constant 192 : index
    %get3A_146 = tpu.vector_load %arg5[%get3A_145] {strides = array<i32>} : memref<256xi32, #tpu.memory_space<vmem>>, vector<16xi32>,
    %get3A_147 = vector.shape_cast %get3A_146 : vector<16xi32> to vector<16xi32>
    %add3A_148 = arith.constant 0 : i32
    %add3A_149 = vector.broadcast %add3A_148 : i32 to vector<16xi32>
    %add3A_150 = arith.addi %get3A_147, %add3A_149 : vector<16xi32>
    %swap3A_151 = arith.constant 1 : i32
    %swap3A_152 = arith.index_cast %swap3A_151 : i32 to index
    %swap3A_153 = arith.constant 64 : index
    %swap3A_154 = tpu.vector_load %arg6[%swap3A_152, %swap3A_153] {strides = array<i32>} : memref<12x128xi32, #tpu.memory_space<vmem>>, vector<1x16xi32>,
    %swap3A_155 = vector.shape_cast %swap3A_154 : vector<1x16xi32> to vector<16xi32>
    %swap3A_156 = vector.shape_cast %add3A_150 : vector<16xi32> to vector<1x16xi32>
    tpu.vector_store %arg6[%swap3A_152, %swap3A_153], %swap3A_156 {strides = array<i32>} : memref<12x128xi32, #tpu.memory_space<vmem>>, vector<1x16xi32>,
    %get3A_157 = arith.constant 208 : index
    %get3A_158 = tpu.vector_load %arg5[%get3A_157] {strides = array<i32>} : memref<256xi32, #tpu.memory_space<vmem>>, vector<16xi32>,
    %get3A_159 = vector.shape_cast %get3A_158 : vector<16xi32> to vector<16xi32>
    %add3A_160 = arith.constant 0 : i32
    %add3A_161 = vector.broadcast %add3A_160 : i32 to vector<16xi32>
    %add3A_162 = arith.addi %get3A_159, %add3A_161 : vector<16xi32>
    %swap3A_163 = arith.constant 1 : i32
    %swap3A_164 = arith.index_cast %swap3A_163 : i32 to index
    %swap3A_165 = arith.constant 80 : index
    %swap3A_166 = tpu.vector_load %arg6[%swap3A_164, %swap3A_165] {strides = array<i32>} : memref<12x128xi32, #tpu.memory_space<vmem>>, vector<1x16xi32>,
    %swap3A_167 = vector.shape_cast %swap3A_166 : vector<1x16xi32> to vector<16xi32>
    %swap3A_168 = vector.shape_cast %add3A_162 : vector<16xi32> to vector<1x16xi32>
    tpu.vector_store %arg6[%swap3A_164, %swap3A_165], %swap3A_168 {strides = array<i32>} : memref<12x128xi32, #tpu.memory_space<vmem>>, vector<1x16xi32>,
    %get3A_169 = arith.constant 224 : index
    %get3A_170 = tpu.vector_load %arg5[%get3A_169] {strides = array<i32>} : memref<256xi32, #tpu.memory_space<vmem>>, vector<16xi32>,
    %get3A_171 = vector.shape_cast %get3A_170 : vector<16xi32> to vector<16xi32>
    %add3A_172 = arith.constant 0 : i32
    %add3A_173 = vector.broadcast %add3A_172 : i32 to vector<16xi32>
    %add3A_174 = arith.addi %get3A_171, %add3A_173 : vector<16xi32>
    %swap3A_175 = arith.constant 1 : i32
    %swap3A_176 = arith.index_cast %swap3A_175 : i32 to index
    %swap3A_177 = arith.constant 96 : index
    %swap3A_178 = tpu.vector_load %arg6[%swap3A_176, %swap3A_177] {strides = array<i32>} : memref<12x128xi32, #tpu.memory_space<vmem>>, vector<1x16xi32>,
    %swap3A_179 = vector.shape_cast %swap3A_178 : vector<1x16xi32> to vector<16xi32>
    %swap3A_180 = vector.shape_cast %add3A_174 : vector<16xi32> to vector<1x16xi32>
    tpu.vector_store %arg6[%swap3A_176, %swap3A_177], %swap3A_180 {strides = array<i32>} : memref<12x128xi32, #tpu.memory_space<vmem>>, vector<1x16xi32>,
    %get3A_181 = arith.constant 240 : index
    %get3A_182 = tpu.vector_load %arg5[%get3A_181] {strides = array<i32>} : memref<256xi32, #tpu.memory_space<vmem>>, vector<16xi32>,
    %get3A_183 = vector.shape_cast %get3A_182 : vector<16xi32> to vector<16xi32>
    %add3A_184 = arith.constant 0 : i32
    %add3A_185 = vector.broadcast %add3A_184 : i32 to vector<16xi32>
    %add3A_186 = arith.addi %get3A_183, %add3A_185 : vector<16xi32>
    %swap3A_187 = arith.constant 1 : i32
    %swap3A_188 = arith.index_cast %swap3A_187 : i32 to index
    %swap3A_189 = arith.constant 112 : index
    %swap3A_190 = tpu.vector_load %arg6[%swap3A_188, %swap3A_189] {strides = array<i32>} : memref<12x128xi32, #tpu.memory_space<vmem>>, vector<1x16xi32>,
    %swap3A_191 = vector.shape_cast %swap3A_190 : vector<1x16xi32> to vector<16xi32>
    %swap3A_192 = vector.shape_cast %add3A_186 : vector<16xi32> to vector<1x16xi32>
    tpu.vector_store %arg6[%swap3A_188, %swap3A_189], %swap3A_192 {strides = array<i32>} : memref<12x128xi32, #tpu.memory_space<vmem>>, vector<1x16xi32>,
    %dma_start3A = arith.constant 0 : i32
    %dma_start3A_193 = arith.constant 0 : i32
    %dma_start3A_194 = tpu.memref_slice %arg6[%dma_start3A, %dma_start3A_193] : memref<12x128xi32, #tpu.memory_space<vmem>> -> memref<1x128xi32, #tpu.memory_space<vmem>>
    %dma_start3A_195 = tpu.memref_squeeze %dma_start3A_194 : memref<1x128xi32, #tpu.memory_space<vmem>> -> memref<128xi32, #tpu.memory_space<vmem>>
    %dma_start3A_196 = arith.constant 0 : i32
    %dma_start3A_197 = arith.constant 0 : i32
    %dma_start3A_198 = tpu.memref_slice %arg2[%dma_start3A_196, %dma_start3A_197] : memref<600000x128xf32, #tpu.memory_space<hbm>> -> memref<600000x128xf32, #tpu.memory_space<hbm>>
    tpu.enqueue_indirect_dma source(%dma_start3A_198 : memref<600000x128xf32, #tpu.memory_space<hbm>>) target(%arg7 : memref<128x128xf32, #tpu.memory_space<vmem>>) offsets(%dma_start3A_195 : memref<128xi32, #tpu.memory_space<vmem>>) semaphore(%arg13 : memref<!tpu.dma_semaphore, #tpu.memory_space<semaphore_mem>>)
    %dma_start3A_199 = arith.constant 1 : i32
    %dma_start3A_200 = arith.constant 0 : i32
    %dma_start3A_201 = tpu.memref_slice %arg6[%dma_start3A_199, %dma_start3A_200] : memref<12x128xi32, #tpu.memory_space<vmem>> -> memref<1x128xi32, #tpu.memory_space<vmem>>
    %dma_start3A_202 = tpu.memref_squeeze %dma_start3A_201 : memref<1x128xi32, #tpu.memory_space<vmem>> -> memref<128xi32, #tpu.memory_space<vmem>>
    %dma_start3A_203 = arith.constant 0 : i32
    %dma_start3A_204 = arith.constant 0 : i32
    %dma_start3A_205 = tpu.memref_slice %arg2[%dma_start3A_203, %dma_start3A_204] : memref<600000x128xf32, #tpu.memory_space<hbm>> -> memref<600000x128xf32, #tpu.memory_space<hbm>>
    tpu.enqueue_indirect_dma source(%dma_start3A_205 : memref<600000x128xf32, #tpu.memory_space<hbm>>) target(%arg8 : memref<128x128xf32, #tpu.memory_space<vmem>>) offsets(%dma_start3A_202 : memref<128xi32, #tpu.memory_space<vmem>>) semaphore(%arg14 : memref<!tpu.dma_semaphore, #tpu.memory_space<semaphore_mem>>)
    %get3A_206 = arith.constant 0 : index
    %get3A_207 = tpu.vector_load %arg5[%get3A_206] {strides = array<i32>} : memref<256xi32, #tpu.memory_space<vmem>>, vector<16xi32>,
    %get3A_208 = vector.shape_cast %get3A_207 : vector<16xi32> to vector<16xi32>
    %add3A_209 = arith.constant 100000 : i32
    %add3A_210 = vector.broadcast %add3A_209 : i32 to vector<16xi32>
    %add3A_211 = arith.addi %get3A_208, %add3A_210 : vector<16xi32>
    %swap3A_212 = arith.constant 2 : i32
    %swap3A_213 = arith.index_cast %swap3A_212 : i32 to index
    %swap3A_214 = arith.constant 0 : index
    %swap3A_215 = tpu.vector_load %arg6[%swap3A_213, %swap3A_214] {strides = array<i32>} : memref<12x128xi32, #tpu.memory_space<vmem>>, vector<1x16xi32>,
    %swap3A_216 = vector.shape_cast %swap3A_215 : vector<1x16xi32> to vector<16xi32>
    %swap3A_217 = vector.shape_cast %add3A_211 : vector<16xi32> to vector<1x16xi32>
    tpu.vector_store %arg6[%swap3A_213, %swap3A_214], %swap3A_217 {strides = array<i32>} : memref<12x128xi32, #tpu.memory_space<vmem>>, vector<1x16xi32>,
    %get3A_218 = arith.constant 16 : index
    %get3A_219 = tpu.vector_load %arg5[%get3A_218] {strides = array<i32>} : memref<256xi32, #tpu.memory_space<vmem>>, vector<16xi32>,
    %get3A_220 = vector.shape_cast %get3A_219 : vector<16xi32> to vector<16xi32>
    %add3A_221 = arith.constant 100000 : i32
    %add3A_222 = vector.broadcast %add3A_221 : i32 to vector<16xi32>
    %add3A_223 = arith.addi %get3A_220, %add3A_222 : vector<16xi32>
    %swap3A_224 = arith.constant 2 : i32
    %swap3A_225 = arith.index_cast %swap3A_224 : i32 to index
    %swap3A_226 = arith.constant 16 : index
    %swap3A_227 = tpu.vector_load %arg6[%swap3A_225, %swap3A_226] {strides = array<i32>} : memref<12x128xi32, #tpu.memory_space<vmem>>, vector<1x16xi32>,
    %swap3A_228 = vector.shape_cast %swap3A_227 : vector<1x16xi32> to vector<16xi32>
    %swap3A_229 = vector.shape_cast %add3A_223 : vector<16xi32> to vector<1x16xi32>
    tpu.vector_store %arg6[%swap3A_225, %swap3A_226], %swap3A_229 {strides = array<i32>} : memref<12x128xi32, #tpu.memory_space<vmem>>, vector<1x16xi32>,
    %get3A_230 = arith.constant 32 : index
    %get3A_231 = tpu.vector_load %arg5[%get3A_230] {strides = array<i32>} : memref<256xi32, #tpu.memory_space<vmem>>, vector<16xi32>,
    %get3A_232 = vector.shape_cast %get3A_231 : vector<16xi32> to vector<16xi32>
    %add3A_233 = arith.constant 100000 : i32
    %add3A_234 = vector.broadcast %add3A_233 : i32 to vector<16xi32>
    %add3A_235 = arith.addi %get3A_232, %add3A_234 : vector<16xi32>
    %swap3A_236 = arith.constant 2 : i32
    %swap3A_237 = arith.index_cast %swap3A_236 : i32 to index
    %swap3A_238 = arith.constant 32 : index
    %swap3A_239 = tpu.vector_load %arg6[%swap3A_237, %swap3A_238] {strides = array<i32>} : memref<12x128xi32, #tpu.memory_space<vmem>>, vector<1x16xi32>,
    %swap3A_240 = vector.shape_cast %swap3A_239 : vector<1x16xi32> to vector<16xi32>
    %swap3A_241 = vector.shape_cast %add3A_235 : vector<16xi32> to vector<1x16xi32>
    tpu.vector_store %arg6[%swap3A_237, %swap3A_238], %swap3A_241 {strides = array<i32>} : memref<12x128xi32, #tpu.memory_space<vmem>>, vector<1x16xi32>,
    %get3A_242 = arith.constant 48 : index
    %get3A_243 = tpu.vector_load %arg5[%get3A_242] {strides = array<i32>} : memref<256xi32, #tpu.memory_space<vmem>>, vector<16xi32>,
    %get3A_244 = vector.shape_cast %get3A_243 : vector<16xi32> to vector<16xi32>
    %add3A_245 = arith.constant 100000 : i32
    %add3A_246 = vector.broadcast %add3A_245 : i32 to vector<16xi32>
    %add3A_247 = arith.addi %get3A_244, %add3A_246 : vector<16xi32>
    %swap3A_248 = arith.constant 2 : i32
    %swap3A_249 = arith.index_cast %swap3A_248 : i32 to index
    %swap3A_250 = arith.constant 48 : index
    %swap3A_251 = tpu.vector_load %arg6[%swap3A_249, %swap3A_250] {strides = array<i32>} : memref<12x128xi32, #tpu.memory_space<vmem>>, vector<1x16xi32>,
    %swap3A_252 = vector.shape_cast %swap3A_251 : vector<1x16xi32> to vector<16xi32>
    %swap3A_253 = vector.shape_cast %add3A_247 : vector<16xi32> to vector<1x16xi32>
    tpu.vector_store %arg6[%swap3A_249, %swap3A_250], %swap3A_253 {strides = array<i32>} : memref<12x128xi32, #tpu.memory_space<vmem>>, vector<1x16xi32>,
    %get3A_254 = arith.constant 64 : index
    %get3A_255 = tpu.vector_load %arg5[%get3A_254] {strides = array<i32>} : memref<256xi32, #tpu.memory_space<vmem>>, vector<16xi32>,
    %get3A_256 = vector.shape_cast %get3A_255 : vector<16xi32> to vector<16xi32>
    %add3A_257 = arith.constant 100000 : i32
    %add3A_258 = vector.broadcast %add3A_257 : i32 to vector<16xi32>
    %add3A_259 = arith.addi %get3A_256, %add3A_258 : vector<16xi32>
    %swap3A_260 = arith.constant 2 : i32
    %swap3A_261 = arith.index_cast %swap3A_260 : i32 to index
    %swap3A_262 = arith.constant 64 : index
    %swap3A_263 = tpu.vector_load %arg6[%swap3A_261, %swap3A_262] {strides = array<i32>} : memref<12x128xi32, #tpu.memory_space<vmem>>, vector<1x16xi32>,
    %swap3A_264 = vector.shape_cast %swap3A_263 : vector<1x16xi32> to vector<16xi32>
    %swap3A_265 = vector.shape_cast %add3A_259 : vector<16xi32> to vector<1x16xi32>
    tpu.vector_store %arg6[%swap3A_261, %swap3A_262], %swap3A_265 {strides = array<i32>} : memref<12x128xi32, #tpu.memory_space<vmem>>, vector<1x16xi32>,
    %get3A_266 = arith.constant 80 : index
    %get3A_267 = tpu.vector_load %arg5[%get3A_266] {strides = array<i32>} : memref<256xi32, #tpu.memory_space<vmem>>, vector<16xi32>,
    %get3A_268 = vector.shape_cast %get3A_267 : vector<16xi32> to vector<16xi32>
    %add3A_269 = arith.constant 100000 : i32
    %add3A_270 = vector.broadcast %add3A_269 : i32 to vector<16xi32>
    %add3A_271 = arith.addi %get3A_268, %add3A_270 : vector<16xi32>
    %swap3A_272 = arith.constant 2 : i32
    %swap3A_273 = arith.index_cast %swap3A_272 : i32 to index
    %swap3A_274 = arith.constant 80 : index
    %swap3A_275 = tpu.vector_load %arg6[%swap3A_273, %swap3A_274] {strides = array<i32>} : memref<12x128xi32, #tpu.memory_space<vmem>>, vector<1x16xi32>,
    %swap3A_276 = vector.shape_cast %swap3A_275 : vector<1x16xi32> to vector<16xi32>
    %swap3A_277 = vector.shape_cast %add3A_271 : vector<16xi32> to vector<1x16xi32>
    tpu.vector_store %arg6[%swap3A_273, %swap3A_274], %swap3A_277 {strides = array<i32>} : memref<12x128xi32, #tpu.memory_space<vmem>>, vector<1x16xi32>,
    %get3A_278 = arith.constant 96 : index
    %get3A_279 = tpu.vector_load %arg5[%get3A_278] {strides = array<i32>} : memref<256xi32, #tpu.memory_space<vmem>>, vector<16xi32>,
    %get3A_280 = vector.shape_cast %get3A_279 : vector<16xi32> to vector<16xi32>
    %add3A_281 = arith.constant 100000 : i32
    %add3A_282 = vector.broadcast %add3A_281 : i32 to vector<16xi32>
    %add3A_283 = arith.addi %get3A_280, %add3A_282 : vector<16xi32>
    %swap3A_284 = arith.constant 2 : i32
    %swap3A_285 = arith.index_cast %swap3A_284 : i32 to index
    %swap3A_286 = arith.constant 96 : index
    %swap3A_287 = tpu.vector_load %arg6[%swap3A_285, %swap3A_286] {strides = array<i32>} : memref<12x128xi32, #tpu.memory_space<vmem>>, vector<1x16xi32>,
    %swap3A_288 = vector.shape_cast %swap3A_287 : vector<1x16xi32> to vector<16xi32>
    %swap3A_289 = vector.shape_cast %add3A_283 : vector<16xi32> to vector<1x16xi32>
    tpu.vector_store %arg6[%swap3A_285, %swap3A_286], %swap3A_289 {strides = array<i32>} : memref<12x128xi32, #tpu.memory_space<vmem>>, vector<1x16xi32>,
    %get3A_290 = arith.constant 112 : index
    %get3A_291 = tpu.vector_load %arg5[%get3A_290] {strides = array<i32>} : memref<256xi32, #tpu.memory_space<vmem>>, vector<16xi32>,
    %get3A_292 = vector.shape_cast %get3A_291 : vector<16xi32> to vector<16xi32>
    %add3A_293 = arith.constant 100000 : i32
    %add3A_294 = vector.broadcast %add3A_293 : i32 to vector<16xi32>
    %add3A_295 = arith.addi %get3A_292, %add3A_294 : vector<16xi32>
    %swap3A_296 = arith.constant 2 : i32
    %swap3A_297 = arith.index_cast %swap3A_296 : i32 to index
    %swap3A_298 = arith.constant 112 : index
    %swap3A_299 = tpu.vector_load %arg6[%swap3A_297, %swap3A_298] {strides = array<i32>} : memref<12x128xi32, #tpu.memory_space<vmem>>, vector<1x16xi32>,
    %swap3A_300 = vector.shape_cast %swap3A_299 : vector<1x16xi32> to vector<16xi32>
    %swap3A_301 = vector.shape_cast %add3A_295 : vector<16xi32> to vector<1x16xi32>
    tpu.vector_store %arg6[%swap3A_297, %swap3A_298], %swap3A_301 {strides = array<i32>} : memref<12x128xi32, #tpu.memory_space<vmem>>, vector<1x16xi32>,
    %get3A_302 = arith.constant 128 : index
    %get3A_303 = tpu.vector_load %arg5[%get3A_302] {strides = array<i32>} : memref<256xi32, #tpu.memory_space<vmem>>, vector<16xi32>,
    %get3A_304 = vector.shape_cast %get3A_303 : vector<16xi32> to vector<16xi32>
    %add3A_305 = arith.constant 100000 : i32
    %add3A_306 = vector.broadcast %add3A_305 : i32 to vector<16xi32>
    %add3A_307 = arith.addi %get3A_304, %add3A_306 : vector<16xi32>
    %swap3A_308 = arith.constant 3 : i32
    %swap3A_309 = arith.index_cast %swap3A_308 : i32 to index
    %swap3A_310 = arith.constant 0 : index
    %swap3A_311 = tpu.vector_load %arg6[%swap3A_309, %swap3A_310] {strides = array<i32>} : memref<12x128xi32, #tpu.memory_space<vmem>>, vector<1x16xi32>,
    %swap3A_312 = vector.shape_cast %swap3A_311 : vector<1x16xi32> to vector<16xi32>
    %swap3A_313 = vector.shape_cast %add3A_307 : vector<16xi32> to vector<1x16xi32>
    tpu.vector_store %arg6[%swap3A_309, %swap3A_310], %swap3A_313 {strides = array<i32>} : memref<12x128xi32, #tpu.memory_space<vmem>>, vector<1x16xi32>,
    %get3A_314 = arith.constant 144 : index
    %get3A_315 = tpu.vector_load %arg5[%get3A_314] {strides = array<i32>} : memref<256xi32, #tpu.memory_space<vmem>>, vector<16xi32>,
    %get3A_316 = vector.shape_cast %get3A_315 : vector<16xi32> to vector<16xi32>
    %add3A_317 = arith.constant 100000 : i32
    %add3A_318 = vector.broadcast %add3A_317 : i32 to vector<16xi32>
    %add3A_319 = arith.addi %get3A_316, %add3A_318 : vector<16xi32>
    %swap3A_320 = arith.constant 3 : i32
    %swap3A_321 = arith.index_cast %swap3A_320 : i32 to index
    %swap3A_322 = arith.constant 16 : index
    %swap3A_323 = tpu.vector_load %arg6[%swap3A_321, %swap3A_322] {strides = array<i32>} : memref<12x128xi32, #tpu.memory_space<vmem>>, vector<1x16xi32>,
    %swap3A_324 = vector.shape_cast %swap3A_323 : vector<1x16xi32> to vector<16xi32>
    %swap3A_325 = vector.shape_cast %add3A_319 : vector<16xi32> to vector<1x16xi32>
    tpu.vector_store %arg6[%swap3A_321, %swap3A_322], %swap3A_325 {strides = array<i32>} : memref<12x128xi32, #tpu.memory_space<vmem>>, vector<1x16xi32>,
    %get3A_326 = arith.constant 160 : index
    %get3A_327 = tpu.vector_load %arg5[%get3A_326] {strides = array<i32>} : memref<256xi32, #tpu.memory_space<vmem>>, vector<16xi32>,
    %get3A_328 = vector.shape_cast %get3A_327 : vector<16xi32> to vector<16xi32>
    %add3A_329 = arith.constant 100000 : i32
    %add3A_330 = vector.broadcast %add3A_329 : i32 to vector<16xi32>
    %add3A_331 = arith.addi %get3A_328, %add3A_330 : vector<16xi32>
    %swap3A_332 = arith.constant 3 : i32
    %swap3A_333 = arith.index_cast %swap3A_332 : i32 to index
    %swap3A_334 = arith.constant 32 : index
    %swap3A_335 = tpu.vector_load %arg6[%swap3A_333, %swap3A_334] {strides = array<i32>} : memref<12x128xi32, #tpu.memory_space<vmem>>, vector<1x16xi32>,
    %swap3A_336 = vector.shape_cast %swap3A_335 : vector<1x16xi32> to vector<16xi32>
    %swap3A_337 = vector.shape_cast %add3A_331 : vector<16xi32> to vector<1x16xi32>
    tpu.vector_store %arg6[%swap3A_333, %swap3A_334], %swap3A_337 {strides = array<i32>} : memref<12x128xi32, #tpu.memory_space<vmem>>, vector<1x16xi32>,
    %get3A_338 = arith.constant 176 : index
    %get3A_339 = tpu.vector_load %arg5[%get3A_338] {strides = array<i32>} : memref<256xi32, #tpu.memory_space<vmem>>, vector<16xi32>,
    %get3A_340 = vector.shape_cast %get3A_339 : vector<16xi32> to vector<16xi32>
    %add3A_341 = arith.constant 100000 : i32
    %add3A_342 = vector.broadcast %add3A_341 : i32 to vector<16xi32>
    %add3A_343 = arith.addi %get3A_340, %add3A_342 : vector<16xi32>
    %swap3A_344 = arith.constant 3 : i32
    %swap3A_345 = arith.index_cast %swap3A_344 : i32 to index
    %swap3A_346 = arith.constant 48 : index
    %swap3A_347 = tpu.vector_load %arg6[%swap3A_345, %swap3A_346] {strides = array<i32>} : memref<12x128xi32, #tpu.memory_space<vmem>>, vector<1x16xi32>,
    %swap3A_348 = vector.shape_cast %swap3A_347 : vector<1x16xi32> to vector<16xi32>
    %swap3A_349 = vector.shape_cast %add3A_343 : vector<16xi32> to vector<1x16xi32>
    tpu.vector_store %arg6[%swap3A_345, %swap3A_346], %swap3A_349 {strides = array<i32>} : memref<12x128xi32, #tpu.memory_space<vmem>>, vector<1x16xi32>,
    %get3A_350 = arith.constant 192 : index
    %get3A_351 = tpu.vector_load %arg5[%get3A_350] {strides = array<i32>} : memref<256xi32, #tpu.memory_space<vmem>>, vector<16xi32>,
    %get3A_352 = vector.shape_cast %get3A_351 : vector<16xi32> to vector<16xi32>
    %add3A_353 = arith.constant 100000 : i32
    %add3A_354 = vector.broadcast %add3A_353 : i32 to vector<16xi32>
    %add3A_355 = arith.addi %get3A_352, %add3A_354 : vector<16xi32>
    %swap3A_356 = arith.constant 3 : i32
    %swap3A_357 = arith.index_cast %swap3A_356 : i32 to index
    %swap3A_358 = arith.constant 64 : index
    %swap3A_359 = tpu.vector_load %arg6[%swap3A_357, %swap3A_358] {strides = array<i32>} : memref<12x128xi32, #tpu.memory_space<vmem>>, vector<1x16xi32>,
    %swap3A_360 = vector.shape_cast %swap3A_359 : vector<1x16xi32> to vector<16xi32>
    %swap3A_361 = vector.shape_cast %add3A_355 : vector<16xi32> to vector<1x16xi32>
    tpu.vector_store %arg6[%swap3A_357, %swap3A_358], %swap3A_361 {strides = array<i32>} : memref<12x128xi32, #tpu.memory_space<vmem>>, vector<1x16xi32>,
    %get3A_362 = arith.constant 208 : index
    %get3A_363 = tpu.vector_load %arg5[%get3A_362] {strides = array<i32>} : memref<256xi32, #tpu.memory_space<vmem>>, vector<16xi32>,
    %get3A_364 = vector.shape_cast %get3A_363 : vector<16xi32> to vector<16xi32>
    %add3A_365 = arith.constant 100000 : i32
    %add3A_366 = vector.broadcast %add3A_365 : i32 to vector<16xi32>
    %add3A_367 = arith.addi %get3A_364, %add3A_366 : vector<16xi32>
    %swap3A_368 = arith.constant 3 : i32
    %swap3A_369 = arith.index_cast %swap3A_368 : i32 to index
    %swap3A_370 = arith.constant 80 : index
    %swap3A_371 = tpu.vector_load %arg6[%swap3A_369, %swap3A_370] {strides = array<i32>} : memref<12x128xi32, #tpu.memory_space<vmem>>, vector<1x16xi32>,
    %swap3A_372 = vector.shape_cast %swap3A_371 : vector<1x16xi32> to vector<16xi32>
    %swap3A_373 = vector.shape_cast %add3A_367 : vector<16xi32> to vector<1x16xi32>
    tpu.vector_store %arg6[%swap3A_369, %swap3A_370], %swap3A_373 {strides = array<i32>} : memref<12x128xi32, #tpu.memory_space<vmem>>, vector<1x16xi32>,
    %get3A_374 = arith.constant 224 : index
    %get3A_375 = tpu.vector_load %arg5[%get3A_374] {strides = array<i32>} : memref<256xi32, #tpu.memory_space<vmem>>, vector<16xi32>,
    %get3A_376 = vector.shape_cast %get3A_375 : vector<16xi32> to vector<16xi32>
    %add3A_377 = arith.constant 100000 : i32
    %add3A_378 = vector.broadcast %add3A_377 : i32 to vector<16xi32>
    %add3A_379 = arith.addi %get3A_376, %add3A_378 : vector<16xi32>
    %swap3A_380 = arith.constant 3 : i32
    %swap3A_381 = arith.index_cast %swap3A_380 : i32 to index
    %swap3A_382 = arith.constant 96 : index
    %swap3A_383 = tpu.vector_load %arg6[%swap3A_381, %swap3A_382] {strides = array<i32>} : memref<12x128xi32, #tpu.memory_space<vmem>>, vector<1x16xi32>,
    %swap3A_384 = vector.shape_cast %swap3A_383 : vector<1x16xi32> to vector<16xi32>
    %swap3A_385 = vector.shape_cast %add3A_379 : vector<16xi32> to vector<1x16xi32>
    tpu.vector_store %arg6[%swap3A_381, %swap3A_382], %swap3A_385 {strides = array<i32>} : memref<12x128xi32, #tpu.memory_space<vmem>>, vector<1x16xi32>,
    %get3A_386 = arith.constant 240 : index
    %get3A_387 = tpu.vector_load %arg5[%get3A_386] {strides = array<i32>} : memref<256xi32, #tpu.memory_space<vmem>>, vector<16xi32>,
    %get3A_388 = vector.shape_cast %get3A_387 : vector<16xi32> to vector<16xi32>
    %add3A_389 = arith.constant 100000 : i32
    %add3A_390 = vector.broadcast %add3A_389 : i32 to vector<16xi32>
    %add3A_391 = arith.addi %get3A_388, %add3A_390 : vector<16xi32>
    %swap3A_392 = arith.constant 3 : i32
    %swap3A_393 = arith.index_cast %swap3A_392 : i32 to index
    %swap3A_394 = arith.constant 112 : index
    %swap3A_395 = tpu.vector_load %arg6[%swap3A_393, %swap3A_394] {strides = array<i32>} : memref<12x128xi32, #tpu.memory_space<vmem>>, vector<1x16xi32>,
    %swap3A_396 = vector.shape_cast %swap3A_395 : vector<1x16xi32> to vector<16xi32>
    %swap3A_397 = vector.shape_cast %add3A_391 : vector<16xi32> to vector<1x16xi32>
    tpu.vector_store %arg6[%swap3A_393, %swap3A_394], %swap3A_397 {strides = array<i32>} : memref<12x128xi32, #tpu.memory_space<vmem>>, vector<1x16xi32>,
    %dma_start3A_398 = arith.constant 2 : i32
    %dma_start3A_399 = arith.constant 0 : i32
    %dma_start3A_400 = tpu.memref_slice %arg6[%dma_start3A_398, %dma_start3A_399] : memref<12x128xi32, #tpu.memory_space<vmem>> -> memref<1x128xi32, #tpu.memory_space<vmem>>
    %dma_start3A_401 = tpu.memref_squeeze %dma_start3A_400 : memref<1x128xi32, #tpu.memory_space<vmem>> -> memref<128xi32, #tpu.memory_space<vmem>>
    %dma_start3A_402 = arith.constant 0 : i32
    %dma_start3A_403 = arith.constant 0 : i32
    %dma_start3A_404 = tpu.memref_slice %arg2[%dma_start3A_402, %dma_start3A_403] : memref<600000x128xf32, #tpu.memory_space<hbm>> -> memref<600000x128xf32, #tpu.memory_space<hbm>>
    tpu.enqueue_indirect_dma source(%dma_start3A_404 : memref<600000x128xf32, #tpu.memory_space<hbm>>) target(%arg9 : memref<128x128xf32, #tpu.memory_space<vmem>>) offsets(%dma_start3A_401 : memref<128xi32, #tpu.memory_space<vmem>>) semaphore(%arg15 : memref<!tpu.dma_semaphore, #tpu.memory_space<semaphore_mem>>)
    %dma_start3A_405 = arith.constant 3 : i32
    %dma_start3A_406 = arith.constant 0 : i32
    %dma_start3A_407 = tpu.memref_slice %arg6[%dma_start3A_405, %dma_start3A_406] : memref<12x128xi32, #tpu.memory_space<vmem>> -> memref<1x128xi32, #tpu.memory_space<vmem>>
    %dma_start3A_408 = tpu.memref_squeeze %dma_start3A_407 : memref<1x128xi32, #tpu.memory_space<vmem>> -> memref<128xi32, #tpu.memory_space<vmem>>
    %dma_start3A_409 = arith.constant 0 : i32
    %dma_start3A_410 = arith.constant 0 : i32
    %dma_start3A_411 = tpu.memref_slice %arg2[%dma_start3A_409, %dma_start3A_410] : memref<600000x128xf32, #tpu.memory_space<hbm>> -> memref<600000x128xf32, #tpu.memory_space<hbm>>
    tpu.enqueue_indirect_dma source(%dma_start3A_411 : memref<600000x128xf32, #tpu.memory_space<hbm>>) target(%arg10 : memref<128x128xf32, #tpu.memory_space<vmem>>) offsets(%dma_start3A_408 : memref<128xi32, #tpu.memory_space<vmem>>) semaphore(%arg16 : memref<!tpu.dma_semaphore, #tpu.memory_space<semaphore_mem>>)
    %get3A_412 = arith.constant 0 : index
    %get3A_413 = tpu.vector_load %arg5[%get3A_412] {strides = array<i32>} : memref<256xi32, #tpu.memory_space<vmem>>, vector<16xi32>,
    %get3A_414 = vector.shape_cast %get3A_413 : vector<16xi32> to vector<16xi32>
    %add3A_415 = arith.constant 200000 : i32
    %add3A_416 = vector.broadcast %add3A_415 : i32 to vector<16xi32>
    %add3A_417 = arith.addi %get3A_414, %add3A_416 : vector<16xi32>
    %swap3A_418 = arith.constant 4 : i32
    %swap3A_419 = arith.index_cast %swap3A_418 : i32 to index
    %swap3A_420 = arith.constant 0 : index
    %swap3A_421 = tpu.vector_load %arg6[%swap3A_419, %swap3A_420] {strides = array<i32>} : memref<12x128xi32, #tpu.memory_space<vmem>>, vector<1x16xi32>,
    %swap3A_422 = vector.shape_cast %swap3A_421 : vector<1x16xi32> to vector<16xi32>
    %swap3A_423 = vector.shape_cast %add3A_417 : vector<16xi32> to vector<1x16xi32>
    tpu.vector_store %arg6[%swap3A_419, %swap3A_420], %swap3A_423 {strides = array<i32>} : memref<12x128xi32, #tpu.memory_space<vmem>>, vector<1x16xi32>,
    %get3A_424 = arith.constant 16 : index
    %get3A_425 = tpu.vector_load %arg5[%get3A_424] {strides = array<i32>} : memref<256xi32, #tpu.memory_space<vmem>>, vector<16xi32>,
    %get3A_426 = vector.shape_cast %get3A_425 : vector<16xi32> to vector<16xi32>
    %add3A_427 = arith.constant 200000 : i32
    %add3A_428 = vector.broadcast %add3A_427 : i32 to vector<16xi32>
    %add3A_429 = arith.addi %get3A_426, %add3A_428 : vector<16xi32>
    %swap3A_430 = arith.constant 4 : i32
    %swap3A_431 = arith.index_cast %swap3A_430 : i32 to index
    %swap3A_432 = arith.constant 16 : index
    %swap3A_433 = tpu.vector_load %arg6[%swap3A_431, %swap3A_432] {strides = array<i32>} : memref<12x128xi32, #tpu.memory_space<vmem>>, vector<1x16xi32>,
    %swap3A_434 = vector.shape_cast %swap3A_433 : vector<1x16xi32> to vector<16xi32>
    %swap3A_435 = vector.shape_cast %add3A_429 : vector<16xi32> to vector<1x16xi32>
    tpu.vector_store %arg6[%swap3A_431, %swap3A_432], %swap3A_435 {strides = array<i32>} : memref<12x128xi32, #tpu.memory_space<vmem>>, vector<1x16xi32>,
    %get3A_436 = arith.constant 32 : index
    %get3A_437 = tpu.vector_load %arg5[%get3A_436] {strides = array<i32>} : memref<256xi32, #tpu.memory_space<vmem>>, vector<16xi32>,
    %get3A_438 = vector.shape_cast %get3A_437 : vector<16xi32> to vector<16xi32>
    %add3A_439 = arith.constant 200000 : i32
    %add3A_440 = vector.broadcast %add3A_439 : i32 to vector<16xi32>
    %add3A_441 = arith.addi %get3A_438, %add3A_440 : vector<16xi32>
    %swap3A_442 = arith.constant 4 : i32
    %swap3A_443 = arith.index_cast %swap3A_442 : i32 to index
    %swap3A_444 = arith.constant 32 : index
    %swap3A_445 = tpu.vector_load %arg6[%swap3A_443, %swap3A_444] {strides = array<i32>} : memref<12x128xi32, #tpu.memory_space<vmem>>, vector<1x16xi32>,
    %swap3A_446 = vector.shape_cast %swap3A_445 : vector<1x16xi32> to vector<16xi32>
    %swap3A_447 = vector.shape_cast %add3A_441 : vector<16xi32> to vector<1x16xi32>
    tpu.vector_store %arg6[%swap3A_443, %swap3A_444], %swap3A_447 {strides = array<i32>} : memref<12x128xi32, #tpu.memory_space<vmem>>, vector<1x16xi32>,
    %get3A_448 = arith.constant 48 : index
    %get3A_449 = tpu.vector_load %arg5[%get3A_448] {strides = array<i32>} : memref<256xi32, #tpu.memory_space<vmem>>, vector<16xi32>,
    %get3A_450 = vector.shape_cast %get3A_449 : vector<16xi32> to vector<16xi32>
    %add3A_451 = arith.constant 200000 : i32
    %add3A_452 = vector.broadcast %add3A_451 : i32 to vector<16xi32>
    %add3A_453 = arith.addi %get3A_450, %add3A_452 : vector<16xi32>
    %swap3A_454 = arith.constant 4 : i32
    %swap3A_455 = arith.index_cast %swap3A_454 : i32 to index
    %swap3A_456 = arith.constant 48 : index
    %swap3A_457 = tpu.vector_load %arg6[%swap3A_455, %swap3A_456] {strides = array<i32>} : memref<12x128xi32, #tpu.memory_space<vmem>>, vector<1x16xi32>,
    %swap3A_458 = vector.shape_cast %swap3A_457 : vector<1x16xi32> to vector<16xi32>
    %swap3A_459 = vector.shape_cast %add3A_453 : vector<16xi32> to vector<1x16xi32>
    tpu.vector_store %arg6[%swap3A_455, %swap3A_456], %swap3A_459 {strides = array<i32>} : memref<12x128xi32, #tpu.memory_space<vmem>>, vector<1x16xi32>,
    %get3A_460 = arith.constant 64 : index
    %get3A_461 = tpu.vector_load %arg5[%get3A_460] {strides = array<i32>} : memref<256xi32, #tpu.memory_space<vmem>>, vector<16xi32>,
    %get3A_462 = vector.shape_cast %get3A_461 : vector<16xi32> to vector<16xi32>
    %add3A_463 = arith.constant 200000 : i32
    %add3A_464 = vector.broadcast %add3A_463 : i32 to vector<16xi32>
    %add3A_465 = arith.addi %get3A_462, %add3A_464 : vector<16xi32>
    %swap3A_466 = arith.constant 4 : i32
    %swap3A_467 = arith.index_cast %swap3A_466 : i32 to index
    %swap3A_468 = arith.constant 64 : index
    %swap3A_469 = tpu.vector_load %arg6[%swap3A_467, %swap3A_468] {strides = array<i32>} : memref<12x128xi32, #tpu.memory_space<vmem>>, vector<1x16xi32>,
    %swap3A_470 = vector.shape_cast %swap3A_469 : vector<1x16xi32> to vector<16xi32>
    %swap3A_471 = vector.shape_cast %add3A_465 : vector<16xi32> to vector<1x16xi32>
    tpu.vector_store %arg6[%swap3A_467, %swap3A_468], %swap3A_471 {strides = array<i32>} : memref<12x128xi32, #tpu.memory_space<vmem>>, vector<1x16xi32>,
    %get3A_472 = arith.constant 80 : index
    %get3A_473 = tpu.vector_load %arg5[%get3A_472] {strides = array<i32>} : memref<256xi32, #tpu.memory_space<vmem>>, vector<16xi32>,
    %get3A_474 = vector.shape_cast %get3A_473 : vector<16xi32> to vector<16xi32>
    %add3A_475 = arith.constant 200000 : i32
    %add3A_476 = vector.broadcast %add3A_475 : i32 to vector<16xi32>
    %add3A_477 = arith.addi %get3A_474, %add3A_476 : vector<16xi32>
    %swap3A_478 = arith.constant 4 : i32
    %swap3A_479 = arith.index_cast %swap3A_478 : i32 to index
    %swap3A_480 = arith.constant 80 : index
    %swap3A_481 = tpu.vector_load %arg6[%swap3A_479, %swap3A_480] {strides = array<i32>} : memref<12x128xi32, #tpu.memory_space<vmem>>, vector<1x16xi32>,
    %swap3A_482 = vector.shape_cast %swap3A_481 : vector<1x16xi32> to vector<16xi32>
    %swap3A_483 = vector.shape_cast %add3A_477 : vector<16xi32> to vector<1x16xi32>
    tpu.vector_store %arg6[%swap3A_479, %swap3A_480], %swap3A_483 {strides = array<i32>} : memref<12x128xi32, #tpu.memory_space<vmem>>, vector<1x16xi32>,
    %get3A_484 = arith.constant 96 : index
    %get3A_485 = tpu.vector_load %arg5[%get3A_484] {strides = array<i32>} : memref<256xi32, #tpu.memory_space<vmem>>, vector<16xi32>,
    %get3A_486 = vector.shape_cast %get3A_485 : vector<16xi32> to vector<16xi32>
    %add3A_487 = arith.constant 200000 : i32
    %add3A_488 = vector.broadcast %add3A_487 : i32 to vector<16xi32>
    %add3A_489 = arith.addi %get3A_486, %add3A_488 : vector<16xi32>
    %swap3A_490 = arith.constant 4 : i32
    %swap3A_491 = arith.index_cast %swap3A_490 : i32 to index
    %swap3A_492 = arith.constant 96 : index
    %swap3A_493 = tpu.vector_load %arg6[%swap3A_491, %swap3A_492] {strides = array<i32>} : memref<12x128xi32, #tpu.memory_space<vmem>>, vector<1x16xi32>,
    %swap3A_494 = vector.shape_cast %swap3A_493 : vector<1x16xi32> to vector<16xi32>
    %swap3A_495 = vector.shape_cast %add3A_489 : vector<16xi32> to vector<1x16xi32>
    tpu.vector_store %arg6[%swap3A_491, %swap3A_492], %swap3A_495 {strides = array<i32>} : memref<12x128xi32, #tpu.memory_space<vmem>>, vector<1x16xi32>,
    %get3A_496 = arith.constant 112 : index
    %get3A_497 = tpu.vector_load %arg5[%get3A_496] {strides = array<i32>} : memref<256xi32, #tpu.memory_space<vmem>>, vector<16xi32>,
    %get3A_498 = vector.shape_cast %get3A_497 : vector<16xi32> to vector<16xi32>
    %add3A_499 = arith.constant 200000 : i32
    %add3A_500 = vector.broadcast %add3A_499 : i32 to vector<16xi32>
    %add3A_501 = arith.addi %get3A_498, %add3A_500 : vector<16xi32>
    %swap3A_502 = arith.constant 4 : i32
    %swap3A_503 = arith.index_cast %swap3A_502 : i32 to index
    %swap3A_504 = arith.constant 112 : index
    %swap3A_505 = tpu.vector_load %arg6[%swap3A_503, %swap3A_504] {strides = array<i32>} : memref<12x128xi32, #tpu.memory_space<vmem>>, vector<1x16xi32>,
    %swap3A_506 = vector.shape_cast %swap3A_505 : vector<1x16xi32> to vector<16xi32>
    %swap3A_507 = vector.shape_cast %add3A_501 : vector<16xi32> to vector<1x16xi32>
    tpu.vector_store %arg6[%swap3A_503, %swap3A_504], %swap3A_507 {strides = array<i32>} : memref<12x128xi32, #tpu.memory_space<vmem>>, vector<1x16xi32>,
    %get3A_508 = arith.constant 128 : index
    %get3A_509 = tpu.vector_load %arg5[%get3A_508] {strides = array<i32>} : memref<256xi32, #tpu.memory_space<vmem>>, vector<16xi32>,
    %get3A_510 = vector.shape_cast %get3A_509 : vector<16xi32> to vector<16xi32>
    %add3A_511 = arith.constant 200000 : i32
    %add3A_512 = vector.broadcast %add3A_511 : i32 to vector<16xi32>
    %add3A_513 = arith.addi %get3A_510, %add3A_512 : vector<16xi32>
    %swap3A_514 = arith.constant 5 : i32
    %swap3A_515 = arith.index_cast %swap3A_514 : i32 to index
    %swap3A_516 = arith.constant 0 : index
    %swap3A_517 = tpu.vector_load %arg6[%swap3A_515, %swap3A_516] {strides = array<i32>} : memref<12x128xi32, #tpu.memory_space<vmem>>, vector<1x16xi32>,
    %swap3A_518 = vector.shape_cast %swap3A_517 : vector<1x16xi32> to vector<16xi32>
    %swap3A_519 = vector.shape_cast %add3A_513 : vector<16xi32> to vector<1x16xi32>
    tpu.vector_store %arg6[%swap3A_515, %swap3A_516], %swap3A_519 {strides = array<i32>} : memref<12x128xi32, #tpu.memory_space<vmem>>, vector<1x16xi32>,
    %get3A_520 = arith.constant 144 : index
    %get3A_521 = tpu.vector_load %arg5[%get3A_520] {strides = array<i32>} : memref<256xi32, #tpu.memory_space<vmem>>, vector<16xi32>,
    %get3A_522 = vector.shape_cast %get3A_521 : vector<16xi32> to vector<16xi32>
    %add3A_523 = arith.constant 200000 : i32
    %add3A_524 = vector.broadcast %add3A_523 : i32 to vector<16xi32>
    %add3A_525 = arith.addi %get3A_522, %add3A_524 : vector<16xi32>
    %swap3A_526 = arith.constant 5 : i32
    %swap3A_527 = arith.index_cast %swap3A_526 : i32 to index
    %swap3A_528 = arith.constant 16 : index
    %swap3A_529 = tpu.vector_load %arg6[%swap3A_527, %swap3A_528] {strides = array<i32>} : memref<12x128xi32, #tpu.memory_space<vmem>>, vector<1x16xi32>,
    %swap3A_530 = vector.shape_cast %swap3A_529 : vector<1x16xi32> to vector<16xi32>
    %swap3A_531 = vector.shape_cast %add3A_525 : vector<16xi32> to vector<1x16xi32>
    tpu.vector_store %arg6[%swap3A_527, %swap3A_528], %swap3A_531 {strides = array<i32>} : memref<12x128xi32, #tpu.memory_space<vmem>>, vector<1x16xi32>,
    %get3A_532 = arith.constant 160 : index
    %get3A_533 = tpu.vector_load %arg5[%get3A_532] {strides = array<i32>} : memref<256xi32, #tpu.memory_space<vmem>>, vector<16xi32>,
    %get3A_534 = vector.shape_cast %get3A_533 : vector<16xi32> to vector<16xi32>
    %add3A_535 = arith.constant 200000 : i32
    %add3A_536 = vector.broadcast %add3A_535 : i32 to vector<16xi32>
    %add3A_537 = arith.addi %get3A_534, %add3A_536 : vector<16xi32>
    %swap3A_538 = arith.constant 5 : i32
    %swap3A_539 = arith.index_cast %swap3A_538 : i32 to index
    %swap3A_540 = arith.constant 32 : index
    %swap3A_541 = tpu.vector_load %arg6[%swap3A_539, %swap3A_540] {strides = array<i32>} : memref<12x128xi32, #tpu.memory_space<vmem>>, vector<1x16xi32>,
    %swap3A_542 = vector.shape_cast %swap3A_541 : vector<1x16xi32> to vector<16xi32>
    %swap3A_543 = vector.shape_cast %add3A_537 : vector<16xi32> to vector<1x16xi32>
    tpu.vector_store %arg6[%swap3A_539, %swap3A_540], %swap3A_543 {strides = array<i32>} : memref<12x128xi32, #tpu.memory_space<vmem>>, vector<1x16xi32>,
    %get3A_544 = arith.constant 176 : index
    %get3A_545 = tpu.vector_load %arg5[%get3A_544] {strides = array<i32>} : memref<256xi32, #tpu.memory_space<vmem>>, vector<16xi32>,
    %get3A_546 = vector.shape_cast %get3A_545 : vector<16xi32> to vector<16xi32>
    %add3A_547 = arith.constant 200000 : i32
    %add3A_548 = vector.broadcast %add3A_547 : i32 to vector<16xi32>
    %add3A_549 = arith.addi %get3A_546, %add3A_548 : vector<16xi32>
    %swap3A_550 = arith.constant 5 : i32
    %swap3A_551 = arith.index_cast %swap3A_550 : i32 to index
    %swap3A_552 = arith.constant 48 : index
    %swap3A_553 = tpu.vector_load %arg6[%swap3A_551, %swap3A_552] {strides = array<i32>} : memref<12x128xi32, #tpu.memory_space<vmem>>, vector<1x16xi32>,
    %swap3A_554 = vector.shape_cast %swap3A_553 : vector<1x16xi32> to vector<16xi32>
    %swap3A_555 = vector.shape_cast %add3A_549 : vector<16xi32> to vector<1x16xi32>
    tpu.vector_store %arg6[%swap3A_551, %swap3A_552], %swap3A_555 {strides = array<i32>} : memref<12x128xi32, #tpu.memory_space<vmem>>, vector<1x16xi32>,
    %get3A_556 = arith.constant 192 : index
    %get3A_557 = tpu.vector_load %arg5[%get3A_556] {strides = array<i32>} : memref<256xi32, #tpu.memory_space<vmem>>, vector<16xi32>,
    %get3A_558 = vector.shape_cast %get3A_557 : vector<16xi32> to vector<16xi32>
    %add3A_559 = arith.constant 200000 : i32
    %add3A_560 = vector.broadcast %add3A_559 : i32 to vector<16xi32>
    %add3A_561 = arith.addi %get3A_558, %add3A_560 : vector<16xi32>
    %swap3A_562 = arith.constant 5 : i32
    %swap3A_563 = arith.index_cast %swap3A_562 : i32 to index
    %swap3A_564 = arith.constant 64 : index
    %swap3A_565 = tpu.vector_load %arg6[%swap3A_563, %swap3A_564] {strides = array<i32>} : memref<12x128xi32, #tpu.memory_space<vmem>>, vector<1x16xi32>,
    %swap3A_566 = vector.shape_cast %swap3A_565 : vector<1x16xi32> to vector<16xi32>
    %swap3A_567 = vector.shape_cast %add3A_561 : vector<16xi32> to vector<1x16xi32>
    tpu.vector_store %arg6[%swap3A_563, %swap3A_564], %swap3A_567 {strides = array<i32>} : memref<12x128xi32, #tpu.memory_space<vmem>>, vector<1x16xi32>,
    %get3A_568 = arith.constant 208 : index
    %get3A_569 = tpu.vector_load %arg5[%get3A_568] {strides = array<i32>} : memref<256xi32, #tpu.memory_space<vmem>>, vector<16xi32>,
    %get3A_570 = vector.shape_cast %get3A_569 : vector<16xi32> to vector<16xi32>
    %add3A_571 = arith.constant 200000 : i32
    %add3A_572 = vector.broadcast %add3A_571 : i32 to vector<16xi32>
    %add3A_573 = arith.addi %get3A_570, %add3A_572 : vector<16xi32>
    %swap3A_574 = arith.constant 5 : i32
    %swap3A_575 = arith.index_cast %swap3A_574 : i32 to index
    %swap3A_576 = arith.constant 80 : index
    %swap3A_577 = tpu.vector_load %arg6[%swap3A_575, %swap3A_576] {strides = array<i32>} : memref<12x128xi32, #tpu.memory_space<vmem>>, vector<1x16xi32>,
    %swap3A_578 = vector.shape_cast %swap3A_577 : vector<1x16xi32> to vector<16xi32>
    %swap3A_579 = vector.shape_cast %add3A_573 : vector<16xi32> to vector<1x16xi32>
    tpu.vector_store %arg6[%swap3A_575, %swap3A_576], %swap3A_579 {strides = array<i32>} : memref<12x128xi32, #tpu.memory_space<vmem>>, vector<1x16xi32>,
    %get3A_580 = arith.constant 224 : index
    %get3A_581 = tpu.vector_load %arg5[%get3A_580] {strides = array<i32>} : memref<256xi32, #tpu.memory_space<vmem>>, vector<16xi32>,
    %get3A_582 = vector.shape_cast %get3A_581 : vector<16xi32> to vector<16xi32>
    %add3A_583 = arith.constant 200000 : i32
    %add3A_584 = vector.broadcast %add3A_583 : i32 to vector<16xi32>
    %add3A_585 = arith.addi %get3A_582, %add3A_584 : vector<16xi32>
    %swap3A_586 = arith.constant 5 : i32
    %swap3A_587 = arith.index_cast %swap3A_586 : i32 to index
    %swap3A_588 = arith.constant 96 : index
    %swap3A_589 = tpu.vector_load %arg6[%swap3A_587, %swap3A_588] {strides = array<i32>} : memref<12x128xi32, #tpu.memory_space<vmem>>, vector<1x16xi32>,
    %swap3A_590 = vector.shape_cast %swap3A_589 : vector<1x16xi32> to vector<16xi32>
    %swap3A_591 = vector.shape_cast %add3A_585 : vector<16xi32> to vector<1x16xi32>
    tpu.vector_store %arg6[%swap3A_587, %swap3A_588], %swap3A_591 {strides = array<i32>} : memref<12x128xi32, #tpu.memory_space<vmem>>, vector<1x16xi32>,
    %get3A_592 = arith.constant 240 : index
    %get3A_593 = tpu.vector_load %arg5[%get3A_592] {strides = array<i32>} : memref<256xi32, #tpu.memory_space<vmem>>, vector<16xi32>,
    %get3A_594 = vector.shape_cast %get3A_593 : vector<16xi32> to vector<16xi32>
    %add3A_595 = arith.constant 200000 : i32
    %add3A_596 = vector.broadcast %add3A_595 : i32 to vector<16xi32>
    %add3A_597 = arith.addi %get3A_594, %add3A_596 : vector<16xi32>
    %swap3A_598 = arith.constant 5 : i32
    %swap3A_599 = arith.index_cast %swap3A_598 : i32 to index
    %swap3A_600 = arith.constant 112 : index
    %swap3A_601 = tpu.vector_load %arg6[%swap3A_599, %swap3A_600] {strides = array<i32>} : memref<12x128xi32, #tpu.memory_space<vmem>>, vector<1x16xi32>,
    %swap3A_602 = vector.shape_cast %swap3A_601 : vector<1x16xi32> to vector<16xi32>
    %swap3A_603 = vector.shape_cast %add3A_597 : vector<16xi32> to vector<1x16xi32>
    tpu.vector_store %arg6[%swap3A_599, %swap3A_600], %swap3A_603 {strides = array<i32>} : memref<12x128xi32, #tpu.memory_space<vmem>>, vector<1x16xi32>,
    %dma_start3A_604 = arith.constant 4 : i32
    %dma_start3A_605 = arith.constant 0 : i32
    %dma_start3A_606 = tpu.memref_slice %arg6[%dma_start3A_604, %dma_start3A_605] : memref<12x128xi32, #tpu.memory_space<vmem>> -> memref<1x128xi32, #tpu.memory_space<vmem>>
    %dma_start3A_607 = tpu.memref_squeeze %dma_start3A_606 : memref<1x128xi32, #tpu.memory_space<vmem>> -> memref<128xi32, #tpu.memory_space<vmem>>
    %dma_start3A_608 = arith.constant 0 : i32
    %dma_start3A_609 = arith.constant 0 : i32
    %dma_start3A_610 = tpu.memref_slice %arg2[%dma_start3A_608, %dma_start3A_609] : memref<600000x128xf32, #tpu.memory_space<hbm>> -> memref<600000x128xf32, #tpu.memory_space<hbm>>
    tpu.enqueue_indirect_dma source(%dma_start3A_610 : memref<600000x128xf32, #tpu.memory_space<hbm>>) target(%arg11 : memref<128x128xf32, #tpu.memory_space<vmem>>) offsets(%dma_start3A_607 : memref<128xi32, #tpu.memory_space<vmem>>) semaphore(%arg17 : memref<!tpu.dma_semaphore, #tpu.memory_space<semaphore_mem>>)
    %dma_start3A_611 = arith.constant 5 : i32
    %dma_start3A_612 = arith.constant 0 : i32
    %dma_start3A_613 = tpu.memref_slice %arg6[%dma_start3A_611, %dma_start3A_612] : memref<12x128xi32, #tpu.memory_space<vmem>> -> memref<1x128xi32, #tpu.memory_space<vmem>>
    %dma_start3A_614 = tpu.memref_squeeze %dma_start3A_613 : memref<1x128xi32, #tpu.memory_space<vmem>> -> memref<128xi32, #tpu.memory_space<vmem>>
    %dma_start3A_615 = arith.constant 0 : i32
    %dma_start3A_616 = arith.constant 0 : i32
    %dma_start3A_617 = tpu.memref_slice %arg2[%dma_start3A_615, %dma_start3A_616] : memref<600000x128xf32, #tpu.memory_space<hbm>> -> memref<600000x128xf32, #tpu.memory_space<hbm>>
    tpu.enqueue_indirect_dma source(%dma_start3A_617 : memref<600000x128xf32, #tpu.memory_space<hbm>>) target(%arg12 : memref<128x128xf32, #tpu.memory_space<vmem>>) offsets(%dma_start3A_614 : memref<128xi32, #tpu.memory_space<vmem>>) semaphore(%arg18 : memref<!tpu.dma_semaphore, #tpu.memory_space<semaphore_mem>>)
    %scan3A = arith.constant 0 : i32
    %scan3A_618 = arith.constant 3 : i32
    %scan3A_619 = arith.constant 3 : i32
    %scan3A_620 = arith.addi %scan3A_618, %scan3A_619 : i32
    %scan3A_621 = arith.constant 1 : i32
    scf.for %scan3A_664 = %scan3A_618 to %scan3A_620 step %scan3A_621  : i32 {
      %mul3A_665 = arith.constant 100000 : i32
      %mul3A_666 = arith.muli %scan3A_664, %mul3A_665 : i32
      %get3A_667 = arith.constant 0 : index
      %get3A_668 = tpu.vector_load %arg5[%get3A_667] {strides = array<i32>} : memref<256xi32, #tpu.memory_space<vmem>>, vector<16xi32>,
      %get3A_669 = vector.shape_cast %get3A_668 : vector<16xi32> to vector<16xi32>
      %add3A_670 = vector.broadcast %mul3A_666 : i32 to vector<16xi32>
      %add3A_671 = arith.addi %get3A_669, %add3A_670 : vector<16xi32>
      %mul3A_672 = arith.constant 2 : i32
      %mul3A_673 = arith.muli %scan3A_664, %mul3A_672 : i32
      %add3A_674 = arith.constant 0 : i32
      %add3A_675 = arith.addi %mul3A_673, %add3A_674 : i32
      %swap3A_676 = arith.index_cast %add3A_675 : i32 to index
      %swap3A_677 = arith.constant 0 : index
      %swap3A_678 = tpu.vector_load %arg6[%swap3A_676, %swap3A_677] {strides = array<i32>} : memref<12x128xi32, #tpu.memory_space<vmem>>, vector<1x16xi32>,
      %swap3A_679 = vector.shape_cast %swap3A_678 : vector<1x16xi32> to vector<16xi32>
      %swap3A_680 = vector.shape_cast %add3A_671 : vector<16xi32> to vector<1x16xi32>
      tpu.vector_store %arg6[%swap3A_676, %swap3A_677], %swap3A_680 {strides = array<i32>} : memref<12x128xi32, #tpu.memory_space<vmem>>, vector<1x16xi32>,
      %get3A_681 = arith.constant 16 : index
      %get3A_682 = tpu.vector_load %arg5[%get3A_681] {strides = array<i32>} : memref<256xi32, #tpu.memory_space<vmem>>, vector<16xi32>,
      %get3A_683 = vector.shape_cast %get3A_682 : vector<16xi32> to vector<16xi32>
      %add3A_684 = vector.broadcast %mul3A_666 : i32 to vector<16xi32>
      %add3A_685 = arith.addi %get3A_683, %add3A_684 : vector<16xi32>
      %mul3A_686 = arith.constant 2 : i32
      %mul3A_687 = arith.muli %scan3A_664, %mul3A_686 : i32
      %add3A_688 = arith.constant 0 : i32
      %add3A_689 = arith.addi %mul3A_687, %add3A_688 : i32
      %swap3A_690 = arith.index_cast %add3A_689 : i32 to index
      %swap3A_691 = arith.constant 16 : index
      %swap3A_692 = tpu.vector_load %arg6[%swap3A_690, %swap3A_691] {strides = array<i32>} : memref<12x128xi32, #tpu.memory_space<vmem>>, vector<1x16xi32>,
      %swap3A_693 = vector.shape_cast %swap3A_692 : vector<1x16xi32> to vector<16xi32>
      %swap3A_694 = vector.shape_cast %add3A_685 : vector<16xi32> to vector<1x16xi32>
      tpu.vector_store %arg6[%swap3A_690, %swap3A_691], %swap3A_694 {strides = array<i32>} : memref<12x128xi32, #tpu.memory_space<vmem>>, vector<1x16xi32>,
      %get3A_695 = arith.constant 32 : index
      %get3A_696 = tpu.vector_load %arg5[%get3A_695] {strides = array<i32>} : memref<256xi32, #tpu.memory_space<vmem>>, vector<16xi32>,
      %get3A_697 = vector.shape_cast %get3A_696 : vector<16xi32> to vector<16xi32>
      %add3A_698 = vector.broadcast %mul3A_666 : i32 to vector<16xi32>
      %add3A_699 = arith.addi %get3A_697, %add3A_698 : vector<16xi32>
      %mul3A_700 = arith.constant 2 : i32
      %mul3A_701 = arith.muli %scan3A_664, %mul3A_700 : i32
      %add3A_702 = arith.constant 0 : i32
      %add3A_703 = arith.addi %mul3A_701, %add3A_702 : i32
      %swap3A_704 = arith.index_cast %add3A_703 : i32 to index
      %swap3A_705 = arith.constant 32 : index
      %swap3A_706 = tpu.vector_load %arg6[%swap3A_704, %swap3A_705] {strides = array<i32>} : memref<12x128xi32, #tpu.memory_space<vmem>>, vector<1x16xi32>,
      %swap3A_707 = vector.shape_cast %swap3A_706 : vector<1x16xi32> to vector<16xi32>
      %swap3A_708 = vector.shape_cast %add3A_699 : vector<16xi32> to vector<1x16xi32>
      tpu.vector_store %arg6[%swap3A_704, %swap3A_705], %swap3A_708 {strides = array<i32>} : memref<12x128xi32, #tpu.memory_space<vmem>>, vector<1x16xi32>,
      %get3A_709 = arith.constant 48 : index
      %get3A_710 = tpu.vector_load %arg5[%get3A_709] {strides = array<i32>} : memref<256xi32, #tpu.memory_space<vmem>>, vector<16xi32>,
      %get3A_711 = vector.shape_cast %get3A_710 : vector<16xi32> to vector<16xi32>
      %add3A_712 = vector.broadcast %mul3A_666 : i32 to vector<16xi32>
      %add3A_713 = arith.addi %get3A_711, %add3A_712 : vector<16xi32>
      %mul3A_714 = arith.constant 2 : i32
      %mul3A_715 = arith.muli %scan3A_664, %mul3A_714 : i32
      %add3A_716 = arith.constant 0 : i32
      %add3A_717 = arith.addi %mul3A_715, %add3A_716 : i32
      %swap3A_718 = arith.index_cast %add3A_717 : i32 to index
      %swap3A_719 = arith.constant 48 : index
      %swap3A_720 = tpu.vector_load %arg6[%swap3A_718, %swap3A_719] {strides = array<i32>} : memref<12x128xi32, #tpu.memory_space<vmem>>, vector<1x16xi32>,
      %swap3A_721 = vector.shape_cast %swap3A_720 : vector<1x16xi32> to vector<16xi32>
      %swap3A_722 = vector.shape_cast %add3A_713 : vector<16xi32> to vector<1x16xi32>
      tpu.vector_store %arg6[%swap3A_718, %swap3A_719], %swap3A_722 {strides = array<i32>} : memref<12x128xi32, #tpu.memory_space<vmem>>, vector<1x16xi32>,
      %get3A_723 = arith.constant 64 : index
      %get3A_724 = tpu.vector_load %arg5[%get3A_723] {strides = array<i32>} : memref<256xi32, #tpu.memory_space<vmem>>, vector<16xi32>,
      %get3A_725 = vector.shape_cast %get3A_724 : vector<16xi32> to vector<16xi32>
      %add3A_726 = vector.broadcast %mul3A_666 : i32 to vector<16xi32>
      %add3A_727 = arith.addi %get3A_725, %add3A_726 : vector<16xi32>
      %mul3A_728 = arith.constant 2 : i32
      %mul3A_729 = arith.muli %scan3A_664, %mul3A_728 : i32
      %add3A_730 = arith.constant 0 : i32
      %add3A_731 = arith.addi %mul3A_729, %add3A_730 : i32
      %swap3A_732 = arith.index_cast %add3A_731 : i32 to index
      %swap3A_733 = arith.constant 64 : index
      %swap3A_734 = tpu.vector_load %arg6[%swap3A_732, %swap3A_733] {strides = array<i32>} : memref<12x128xi32, #tpu.memory_space<vmem>>, vector<1x16xi32>,
      %swap3A_735 = vector.shape_cast %swap3A_734 : vector<1x16xi32> to vector<16xi32>
      %swap3A_736 = vector.shape_cast %add3A_727 : vector<16xi32> to vector<1x16xi32>
      tpu.vector_store %arg6[%swap3A_732, %swap3A_733], %swap3A_736 {strides = array<i32>} : memref<12x128xi32, #tpu.memory_space<vmem>>, vector<1x16xi32>,
      %get3A_737 = arith.constant 80 : index
      %get3A_738 = tpu.vector_load %arg5[%get3A_737] {strides = array<i32>} : memref<256xi32, #tpu.memory_space<vmem>>, vector<16xi32>,
      %get3A_739 = vector.shape_cast %get3A_738 : vector<16xi32> to vector<16xi32>
      %add3A_740 = vector.broadcast %mul3A_666 : i32 to vector<16xi32>
      %add3A_741 = arith.addi %get3A_739, %add3A_740 : vector<16xi32>
      %mul3A_742 = arith.constant 2 : i32
      %mul3A_743 = arith.muli %scan3A_664, %mul3A_742 : i32
      %add3A_744 = arith.constant 0 : i32
      %add3A_745 = arith.addi %mul3A_743, %add3A_744 : i32
      %swap3A_746 = arith.index_cast %add3A_745 : i32 to index
      %swap3A_747 = arith.constant 80 : index
      %swap3A_748 = tpu.vector_load %arg6[%swap3A_746, %swap3A_747] {strides = array<i32>} : memref<12x128xi32, #tpu.memory_space<vmem>>, vector<1x16xi32>,
      %swap3A_749 = vector.shape_cast %swap3A_748 : vector<1x16xi32> to vector<16xi32>
      %swap3A_750 = vector.shape_cast %add3A_741 : vector<16xi32> to vector<1x16xi32>
      tpu.vector_store %arg6[%swap3A_746, %swap3A_747], %swap3A_750 {strides = array<i32>} : memref<12x128xi32, #tpu.memory_space<vmem>>, vector<1x16xi32>,
      %get3A_751 = arith.constant 96 : index
      %get3A_752 = tpu.vector_load %arg5[%get3A_751] {strides = array<i32>} : memref<256xi32, #tpu.memory_space<vmem>>, vector<16xi32>,
      %get3A_753 = vector.shape_cast %get3A_752 : vector<16xi32> to vector<16xi32>
      %add3A_754 = vector.broadcast %mul3A_666 : i32 to vector<16xi32>
      %add3A_755 = arith.addi %get3A_753, %add3A_754 : vector<16xi32>
      %mul3A_756 = arith.constant 2 : i32
      %mul3A_757 = arith.muli %scan3A_664, %mul3A_756 : i32
      %add3A_758 = arith.constant 0 : i32
      %add3A_759 = arith.addi %mul3A_757, %add3A_758 : i32
      %swap3A_760 = arith.index_cast %add3A_759 : i32 to index
      %swap3A_761 = arith.constant 96 : index
      %swap3A_762 = tpu.vector_load %arg6[%swap3A_760, %swap3A_761] {strides = array<i32>} : memref<12x128xi32, #tpu.memory_space<vmem>>, vector<1x16xi32>,
      %swap3A_763 = vector.shape_cast %swap3A_762 : vector<1x16xi32> to vector<16xi32>
      %swap3A_764 = vector.shape_cast %add3A_755 : vector<16xi32> to vector<1x16xi32>
      tpu.vector_store %arg6[%swap3A_760, %swap3A_761], %swap3A_764 {strides = array<i32>} : memref<12x128xi32, #tpu.memory_space<vmem>>, vector<1x16xi32>,
      %get3A_765 = arith.constant 112 : index
      %get3A_766 = tpu.vector_load %arg5[%get3A_765] {strides = array<i32>} : memref<256xi32, #tpu.memory_space<vmem>>, vector<16xi32>,
      %get3A_767 = vector.shape_cast %get3A_766 : vector<16xi32> to vector<16xi32>
      %add3A_768 = vector.broadcast %mul3A_666 : i32 to vector<16xi32>
      %add3A_769 = arith.addi %get3A_767, %add3A_768 : vector<16xi32>
      %mul3A_770 = arith.constant 2 : i32
      %mul3A_771 = arith.muli %scan3A_664, %mul3A_770 : i32
      %add3A_772 = arith.constant 0 : i32
      %add3A_773 = arith.addi %mul3A_771, %add3A_772 : i32
      %swap3A_774 = arith.index_cast %add3A_773 : i32 to index
      %swap3A_775 = arith.constant 112 : index
      %swap3A_776 = tpu.vector_load %arg6[%swap3A_774, %swap3A_775] {strides = array<i32>} : memref<12x128xi32, #tpu.memory_space<vmem>>, vector<1x16xi32>,
      %swap3A_777 = vector.shape_cast %swap3A_776 : vector<1x16xi32> to vector<16xi32>
      %swap3A_778 = vector.shape_cast %add3A_769 : vector<16xi32> to vector<1x16xi32>
      tpu.vector_store %arg6[%swap3A_774, %swap3A_775], %swap3A_778 {strides = array<i32>} : memref<12x128xi32, #tpu.memory_space<vmem>>, vector<1x16xi32>,
      %get3A_779 = arith.constant 128 : index
      %get3A_780 = tpu.vector_load %arg5[%get3A_779] {strides = array<i32>} : memref<256xi32, #tpu.memory_space<vmem>>, vector<16xi32>,
      %get3A_781 = vector.shape_cast %get3A_780 : vector<16xi32> to vector<16xi32>
      %add3A_782 = vector.broadcast %mul3A_666 : i32 to vector<16xi32>
      %add3A_783 = arith.addi %get3A_781, %add3A_782 : vector<16xi32>
      %mul3A_784 = arith.constant 2 : i32
      %mul3A_785 = arith.muli %scan3A_664, %mul3A_784 : i32
      %add3A_786 = arith.constant 1 : i32
      %add3A_787 = arith.addi %mul3A_785, %add3A_786 : i32
      %swap3A_788 = arith.index_cast %add3A_787 : i32 to index
      %swap3A_789 = arith.constant 0 : index
      %swap3A_790 = tpu.vector_load %arg6[%swap3A_788, %swap3A_789] {strides = array<i32>} : memref<12x128xi32, #tpu.memory_space<vmem>>, vector<1x16xi32>,
      %swap3A_791 = vector.shape_cast %swap3A_790 : vector<1x16xi32> to vector<16xi32>
      %swap3A_792 = vector.shape_cast %add3A_783 : vector<16xi32> to vector<1x16xi32>
      tpu.vector_store %arg6[%swap3A_788, %swap3A_789], %swap3A_792 {strides = array<i32>} : memref<12x128xi32, #tpu.memory_space<vmem>>, vector<1x16xi32>,
      %get3A_793 = arith.constant 144 : index
      %get3A_794 = tpu.vector_load %arg5[%get3A_793] {strides = array<i32>} : memref<256xi32, #tpu.memory_space<vmem>>, vector<16xi32>,
      %get3A_795 = vector.shape_cast %get3A_794 : vector<16xi32> to vector<16xi32>
      %add3A_796 = vector.broadcast %mul3A_666 : i32 to vector<16xi32>
      %add3A_797 = arith.addi %get3A_795, %add3A_796 : vector<16xi32>
      %mul3A_798 = arith.constant 2 : i32
      %mul3A_799 = arith.muli %scan3A_664, %mul3A_798 : i32
      %add3A_800 = arith.constant 1 : i32
      %add3A_801 = arith.addi %mul3A_799, %add3A_800 : i32
      %swap3A_802 = arith.index_cast %add3A_801 : i32 to index
      %swap3A_803 = arith.constant 16 : index
      %swap3A_804 = tpu.vector_load %arg6[%swap3A_802, %swap3A_803] {strides = array<i32>} : memref<12x128xi32, #tpu.memory_space<vmem>>, vector<1x16xi32>,
      %swap3A_805 = vector.shape_cast %swap3A_804 : vector<1x16xi32> to vector<16xi32>
      %swap3A_806 = vector.shape_cast %add3A_797 : vector<16xi32> to vector<1x16xi32>
      tpu.vector_store %arg6[%swap3A_802, %swap3A_803], %swap3A_806 {strides = array<i32>} : memref<12x128xi32, #tpu.memory_space<vmem>>, vector<1x16xi32>,
      %get3A_807 = arith.constant 160 : index
      %get3A_808 = tpu.vector_load %arg5[%get3A_807] {strides = array<i32>} : memref<256xi32, #tpu.memory_space<vmem>>, vector<16xi32>,
      %get3A_809 = vector.shape_cast %get3A_808 : vector<16xi32> to vector<16xi32>
      %add3A_810 = vector.broadcast %mul3A_666 : i32 to vector<16xi32>
      %add3A_811 = arith.addi %get3A_809, %add3A_810 : vector<16xi32>
      %mul3A_812 = arith.constant 2 : i32
      %mul3A_813 = arith.muli %scan3A_664, %mul3A_812 : i32
      %add3A_814 = arith.constant 1 : i32
      %add3A_815 = arith.addi %mul3A_813, %add3A_814 : i32
      %swap3A_816 = arith.index_cast %add3A_815 : i32 to index
      %swap3A_817 = arith.constant 32 : index
      %swap3A_818 = tpu.vector_load %arg6[%swap3A_816, %swap3A_817] {strides = array<i32>} : memref<12x128xi32, #tpu.memory_space<vmem>>, vector<1x16xi32>,
      %swap3A_819 = vector.shape_cast %swap3A_818 : vector<1x16xi32> to vector<16xi32>
      %swap3A_820 = vector.shape_cast %add3A_811 : vector<16xi32> to vector<1x16xi32>
      tpu.vector_store %arg6[%swap3A_816, %swap3A_817], %swap3A_820 {strides = array<i32>} : memref<12x128xi32, #tpu.memory_space<vmem>>, vector<1x16xi32>,
      %get3A_821 = arith.constant 176 : index
      %get3A_822 = tpu.vector_load %arg5[%get3A_821] {strides = array<i32>} : memref<256xi32, #tpu.memory_space<vmem>>, vector<16xi32>,
      %get3A_823 = vector.shape_cast %get3A_822 : vector<16xi32> to vector<16xi32>
      %add3A_824 = vector.broadcast %mul3A_666 : i32 to vector<16xi32>
      %add3A_825 = arith.addi %get3A_823, %add3A_824 : vector<16xi32>
      %mul3A_826 = arith.constant 2 : i32
      %mul3A_827 = arith.muli %scan3A_664, %mul3A_826 : i32
      %add3A_828 = arith.constant 1 : i32
      %add3A_829 = arith.addi %mul3A_827, %add3A_828 : i32
      %swap3A_830 = arith.index_cast %add3A_829 : i32 to index
      %swap3A_831 = arith.constant 48 : index
      %swap3A_832 = tpu.vector_load %arg6[%swap3A_830, %swap3A_831] {strides = array<i32>} : memref<12x128xi32, #tpu.memory_space<vmem>>, vector<1x16xi32>,
      %swap3A_833 = vector.shape_cast %swap3A_832 : vector<1x16xi32> to vector<16xi32>
      %swap3A_834 = vector.shape_cast %add3A_825 : vector<16xi32> to vector<1x16xi32>
      tpu.vector_store %arg6[%swap3A_830, %swap3A_831], %swap3A_834 {strides = array<i32>} : memref<12x128xi32, #tpu.memory_space<vmem>>, vector<1x16xi32>,
      %get3A_835 = arith.constant 192 : index
      %get3A_836 = tpu.vector_load %arg5[%get3A_835] {strides = array<i32>} : memref<256xi32, #tpu.memory_space<vmem>>, vector<16xi32>,
      %get3A_837 = vector.shape_cast %get3A_836 : vector<16xi32> to vector<16xi32>
      %add3A_838 = vector.broadcast %mul3A_666 : i32 to vector<16xi32>
      %add3A_839 = arith.addi %get3A_837, %add3A_838 : vector<16xi32>
      %mul3A_840 = arith.constant 2 : i32
      %mul3A_841 = arith.muli %scan3A_664, %mul3A_840 : i32
      %add3A_842 = arith.constant 1 : i32
      %add3A_843 = arith.addi %mul3A_841, %add3A_842 : i32
      %swap3A_844 = arith.index_cast %add3A_843 : i32 to index
      %swap3A_845 = arith.constant 64 : index
      %swap3A_846 = tpu.vector_load %arg6[%swap3A_844, %swap3A_845] {strides = array<i32>} : memref<12x128xi32, #tpu.memory_space<vmem>>, vector<1x16xi32>,
      %swap3A_847 = vector.shape_cast %swap3A_846 : vector<1x16xi32> to vector<16xi32>
      %swap3A_848 = vector.shape_cast %add3A_839 : vector<16xi32> to vector<1x16xi32>
      tpu.vector_store %arg6[%swap3A_844, %swap3A_845], %swap3A_848 {strides = array<i32>} : memref<12x128xi32, #tpu.memory_space<vmem>>, vector<1x16xi32>,
      %get3A_849 = arith.constant 208 : index
      %get3A_850 = tpu.vector_load %arg5[%get3A_849] {strides = array<i32>} : memref<256xi32, #tpu.memory_space<vmem>>, vector<16xi32>,
      %get3A_851 = vector.shape_cast %get3A_850 : vector<16xi32> to vector<16xi32>
      %add3A_852 = vector.broadcast %mul3A_666 : i32 to vector<16xi32>
      %add3A_853 = arith.addi %get3A_851, %add3A_852 : vector<16xi32>
      %mul3A_854 = arith.constant 2 : i32
      %mul3A_855 = arith.muli %scan3A_664, %mul3A_854 : i32
      %add3A_856 = arith.constant 1 : i32
      %add3A_857 = arith.addi %mul3A_855, %add3A_856 : i32
      %swap3A_858 = arith.index_cast %add3A_857 : i32 to index
      %swap3A_859 = arith.constant 80 : index
      %swap3A_860 = tpu.vector_load %arg6[%swap3A_858, %swap3A_859] {strides = array<i32>} : memref<12x128xi32, #tpu.memory_space<vmem>>, vector<1x16xi32>,
      %swap3A_861 = vector.shape_cast %swap3A_860 : vector<1x16xi32> to vector<16xi32>
      %swap3A_862 = vector.shape_cast %add3A_853 : vector<16xi32> to vector<1x16xi32>
      tpu.vector_store %arg6[%swap3A_858, %swap3A_859], %swap3A_862 {strides = array<i32>} : memref<12x128xi32, #tpu.memory_space<vmem>>, vector<1x16xi32>,
      %get3A_863 = arith.constant 224 : index
      %get3A_864 = tpu.vector_load %arg5[%get3A_863] {strides = array<i32>} : memref<256xi32, #tpu.memory_space<vmem>>, vector<16xi32>,
      %get3A_865 = vector.shape_cast %get3A_864 : vector<16xi32> to vector<16xi32>
      %add3A_866 = vector.broadcast %mul3A_666 : i32 to vector<16xi32>
      %add3A_867 = arith.addi %get3A_865, %add3A_866 : vector<16xi32>
      %mul3A_868 = arith.constant 2 : i32
      %mul3A_869 = arith.muli %scan3A_664, %mul3A_868 : i32
      %add3A_870 = arith.constant 1 : i32
      %add3A_871 = arith.addi %mul3A_869, %add3A_870 : i32
      %swap3A_872 = arith.index_cast %add3A_871 : i32 to index
      %swap3A_873 = arith.constant 96 : index
      %swap3A_874 = tpu.vector_load %arg6[%swap3A_872, %swap3A_873] {strides = array<i32>} : memref<12x128xi32, #tpu.memory_space<vmem>>, vector<1x16xi32>,
      %swap3A_875 = vector.shape_cast %swap3A_874 : vector<1x16xi32> to vector<16xi32>
      %swap3A_876 = vector.shape_cast %add3A_867 : vector<16xi32> to vector<1x16xi32>
      tpu.vector_store %arg6[%swap3A_872, %swap3A_873], %swap3A_876 {strides = array<i32>} : memref<12x128xi32, #tpu.memory_space<vmem>>, vector<1x16xi32>,
      %get3A_877 = arith.constant 240 : index
      %get3A_878 = tpu.vector_load %arg5[%get3A_877] {strides = array<i32>} : memref<256xi32, #tpu.memory_space<vmem>>, vector<16xi32>,
      %get3A_879 = vector.shape_cast %get3A_878 : vector<16xi32> to vector<16xi32>
      %add3A_880 = vector.broadcast %mul3A_666 : i32 to vector<16xi32>
      %add3A_881 = arith.addi %get3A_879, %add3A_880 : vector<16xi32>
      %mul3A_882 = arith.constant 2 : i32
      %mul3A_883 = arith.muli %scan3A_664, %mul3A_882 : i32
      %add3A_884 = arith.constant 1 : i32
      %add3A_885 = arith.addi %mul3A_883, %add3A_884 : i32
      %swap3A_886 = arith.index_cast %add3A_885 : i32 to index
      %swap3A_887 = arith.constant 112 : index
      %swap3A_888 = tpu.vector_load %arg6[%swap3A_886, %swap3A_887] {strides = array<i32>} : memref<12x128xi32, #tpu.memory_space<vmem>>, vector<1x16xi32>,
      %swap3A_889 = vector.shape_cast %swap3A_888 : vector<1x16xi32> to vector<16xi32>
      %swap3A_890 = vector.shape_cast %add3A_881 : vector<16xi32> to vector<1x16xi32>
      tpu.vector_store %arg6[%swap3A_886, %swap3A_887], %swap3A_890 {strides = array<i32>} : memref<12x128xi32, #tpu.memory_space<vmem>>, vector<1x16xi32>,
    }
    %scan3A_622 = arith.constant 3 : i32
    %scan3A_623 = arith.constant 0 : i32
    %scan3A_624 = arith.constant 0 : i32
    %scan3A_625 = arith.constant 2 : i32
    %scan3A_626 = arith.addi %scan3A_624, %scan3A_625 : i32
    %scan3A_627 = arith.constant 1 : i32
    scf.for %scan3A_664 = %scan3A_624 to %scan3A_626 step %scan3A_627  : i32 {
      %mul3A_665 = arith.constant 6 : i32
      %mul3A_666 = arith.muli %scan3A_664, %mul3A_665 : i32
      %add3A_667 = arith.constant 0 : i32
      %add3A_668 = arith.addi %mul3A_666, %add3A_667 : i32
      %dma_wait3A_669 = arith.constant 0 : i32
      %dma_wait3A_670 = arith.constant 0 : i32
      %dma_wait3A_671 = tpu.memref_slice %arg2[%dma_wait3A_669, %dma_wait3A_670] : memref<600000x128xf32, #tpu.memory_space<hbm>> -> memref<128x128xf32, #tpu.memory_space<hbm>>
      %dma_wait3A_672 = arith.constant 0 : i32
      %dma_wait3A_673 = arith.constant 0 : i32
      %dma_wait3A_674 = tpu.memref_slice %arg2[%dma_wait3A_672, %dma_wait3A_673] : memref<600000x128xf32, #tpu.memory_space<hbm>> -> memref<128x128xf32, #tpu.memory_space<hbm>>
      tpu.wait_dma2 semaphore(%arg13 : memref<!tpu.dma_semaphore, #tpu.memory_space<semaphore_mem>>) src(%dma_wait3A_674 : memref<128x128xf32, #tpu.memory_space<hbm>>) dst(%arg7 : memref<128x128xf32, #tpu.memory_space<vmem>>)
      %jit3A = arith.constant 2 : i32
      %div3A = arith.divsi %add3A_668, %jit3A : i32
      %sign3A = arith.constant 0 : i32
      %sign3A_675 = arith.cmpi sgt, %add3A_668, %sign3A : i32
      %sign3A_676 = arith.extui %sign3A_675 : i1 to i32
      %sign3A_677 = arith.constant 0 : i32
      %sign3A_678 = arith.cmpi slt, %add3A_668, %sign3A_677 : i32
      %sign3A_679 = arith.extui %sign3A_678 : i1 to i32
      %sign3A_680 = arith.subi %sign3A_676, %sign3A_679 : i32
      %sign3A_681 = arith.constant 0 : i32
      %sign3A_682 = arith.cmpi sgt, %jit3A, %sign3A_681 : i32
      %sign3A_683 = arith.extui %sign3A_682 : i1 to i32
      %sign3A_684 = arith.constant 0 : i32
      %sign3A_685 = arith.cmpi slt, %jit3A, %sign3A_684 : i32
      %sign3A_686 = arith.extui %sign3A_685 : i1 to i32
      %sign3A_687 = arith.subi %sign3A_683, %sign3A_686 : i32
      %ne3A = arith.cmpi ne, %sign3A_680, %sign3A_687 : i32
      %rem3A = arith.remsi %add3A_668, %jit3A : i32
      %ne3A_688 = arith.constant 0 : i32
      %ne3A_689 = arith.cmpi ne, %rem3A, %ne3A_688 : i32
      %and3A = arith.andi %ne3A, %ne3A_689 : i1
      %sub3A = arith.constant 1 : i32
      %sub3A_690 = arith.subi %div3A, %sub3A : i32
      %select_n3A = arith.select %and3A, %sub3A_690, %div3A : i32
      %mul3A_691 = arith.constant 8192 : i32
      %mul3A_692 = arith.muli %select_n3A, %mul3A_691 : i32
      %jit3A_693 = arith.constant 2 : i32
      %eq3A = arith.constant 0 : i32
      %eq3A_694 = arith.cmpi eq, %jit3A_693, %eq3A : i32
      %jit3A_695 = arith.constant 1 : i32
      %select_n3A_696 = arith.select %eq3A_694, %jit3A_695, %jit3A_693 : i32
      %rem3A_697 = arith.remsi %add3A_668, %select_n3A_696 : i32
      %ne3A_698 = arith.constant 0 : i32
      %ne3A_699 = arith.cmpi ne, %rem3A_697, %ne3A_698 : i32
      %lt3A = arith.constant 0 : i32
      %lt3A_700 = arith.cmpi slt, %rem3A_697, %lt3A : i32
      %lt3A_701 = arith.constant 0 : i32
      %lt3A_702 = arith.cmpi slt, %select_n3A_696, %lt3A_701 : i32
      %ne3A_703 = arith.xori %lt3A_700, %lt3A_702 : i1
      %and3A_704 = arith.andi %ne3A_703, %ne3A_699 : i1
      %add3A_705 = arith.addi %rem3A_697, %select_n3A_696 : i32
      %select_n3A_706 = arith.select %and3A_704, %add3A_705, %rem3A_697 : i32
      %mul3A_707 = arith.constant 128 : i32
      %mul3A_708 = arith.muli %select_n3A_706, %mul3A_707 : i32
      %add3A_709 = arith.addi %mul3A_692, %mul3A_708 : i32
      %add3A_710 = arith.addi %add3A_709, %mul3A_2 : i32
      %dma_start3A_711 = arith.constant 0 : i32
      %dma_start3A_712 = tpu.memref_slice %arg4[%add3A_710, %dma_start3A_711] : memref<49152x128xf32, #tpu.memory_space<hbm>> -> memref<128x128xf32, #tpu.memory_space<hbm>>
      %dma_start3A_713 = arith.constant 0 : i32
      %dma_start3A_714 = tpu.memref_slice %arg4[%add3A_710, %dma_start3A_713] : memref<49152x128xf32, #tpu.memory_space<hbm>> -> memref<128x128xf32, #tpu.memory_space<hbm>>
      tpu.enqueue_dma source(%arg7 : memref<128x128xf32, #tpu.memory_space<vmem>>) target(%dma_start3A_714 : memref<128x128xf32, #tpu.memory_space<hbm>>) target_semaphore(%arg19 : memref<!tpu.dma_semaphore, #tpu.memory_space<semaphore_mem>>)
      %lt3A_715 = arith.constant 1 : i32
      %lt3A_716 = arith.cmpi slt, %scan3A_664, %lt3A_715 : i32
      %convert_element_type3A = arith.extui %lt3A_716 : i1 to i32
      %cond3A = arith.constant 0 : i32
      %cond3A_717 = arith.cmpi ne, %convert_element_type3A, %cond3A : i32
      scf.if %cond3A_717 {
        %dma_wait3A_1043 = arith.constant 0 : i32
        %dma_wait3A_1044 = arith.constant 0 : i32
        %dma_wait3A_1045 = tpu.memref_slice %arg4[%dma_wait3A_1043, %dma_wait3A_1044] : memref<49152x128xf32, #tpu.memory_space<hbm>> -> memref<128x128xf32, #tpu.memory_space<hbm>>
        %dma_wait3A_1046 = arith.constant 0 : i32
        %dma_wait3A_1047 = arith.constant 0 : i32
        %dma_wait3A_1048 = tpu.memref_slice %arg4[%dma_wait3A_1046, %dma_wait3A_1047] : memref<49152x128xf32, #tpu.memory_space<hbm>> -> memref<128x128xf32, #tpu.memory_space<hbm>>
        tpu.wait_dma2 semaphore(%arg19 : memref<!tpu.dma_semaphore, #tpu.memory_space<semaphore_mem>>) src(%arg7 : memref<128x128xf32, #tpu.memory_space<vmem>>) dst(%dma_wait3A_1048 : memref<128x128xf32, #tpu.memory_space<hbm>>)
        %add3A_1049 = arith.constant 6 : i32
        %add3A_1050 = arith.addi %add3A_668, %add3A_1049 : i32
        %dma_start3A_1051 = arith.constant 0 : i32
        %dma_start3A_1052 = tpu.memref_slice %arg6[%add3A_1050, %dma_start3A_1051] : memref<12x128xi32, #tpu.memory_space<vmem>> -> memref<1x128xi32, #tpu.memory_space<vmem>>
        %dma_start3A_1053 = tpu.memref_squeeze %dma_start3A_1052 : memref<1x128xi32, #tpu.memory_space<vmem>> -> memref<128xi32, #tpu.memory_space<vmem>>
        %dma_start3A_1054 = arith.constant 0 : i32
        %dma_start3A_1055 = arith.constant 0 : i32
        %dma_start3A_1056 = tpu.memref_slice %arg2[%dma_start3A_1054, %dma_start3A_1055] : memref<600000x128xf32, #tpu.memory_space<hbm>> -> memref<600000x128xf32, #tpu.memory_space<hbm>>
        tpu.enqueue_indirect_dma source(%dma_start3A_1056 : memref<600000x128xf32, #tpu.memory_space<hbm>>) target(%arg7 : memref<128x128xf32, #tpu.memory_space<vmem>>) offsets(%dma_start3A_1053 : memref<128xi32, #tpu.memory_space<vmem>>) semaphore(%arg13 : memref<!tpu.dma_semaphore, #tpu.memory_space<semaphore_mem>>)
      } else {
      }
      %mul3A_718 = arith.constant 6 : i32
      %mul3A_719 = arith.muli %scan3A_664, %mul3A_718 : i32
      %add3A_720 = arith.constant 1 : i32
      %add3A_721 = arith.addi %mul3A_719, %add3A_720 : i32
      %dma_wait3A_722 = arith.constant 0 : i32
      %dma_wait3A_723 = arith.constant 0 : i32
      %dma_wait3A_724 = tpu.memref_slice %arg2[%dma_wait3A_722, %dma_wait3A_723] : memref<600000x128xf32, #tpu.memory_space<hbm>> -> memref<128x128xf32, #tpu.memory_space<hbm>>
      %dma_wait3A_725 = arith.constant 0 : i32
      %dma_wait3A_726 = arith.constant 0 : i32
      %dma_wait3A_727 = tpu.memref_slice %arg2[%dma_wait3A_725, %dma_wait3A_726] : memref<600000x128xf32, #tpu.memory_space<hbm>> -> memref<128x128xf32, #tpu.memory_space<hbm>>
      tpu.wait_dma2 semaphore(%arg14 : memref<!tpu.dma_semaphore, #tpu.memory_space<semaphore_mem>>) src(%dma_wait3A_727 : memref<128x128xf32, #tpu.memory_space<hbm>>) dst(%arg8 : memref<128x128xf32, #tpu.memory_space<vmem>>)
      %jit3A_728 = arith.constant 2 : i32
      %div3A_729 = arith.divsi %add3A_721, %jit3A_728 : i32
      %sign3A_730 = arith.constant 0 : i32
      %sign3A_731 = arith.cmpi sgt, %add3A_721, %sign3A_730 : i32
      %sign3A_732 = arith.extui %sign3A_731 : i1 to i32
      %sign3A_733 = arith.constant 0 : i32
      %sign3A_734 = arith.cmpi slt, %add3A_721, %sign3A_733 : i32
      %sign3A_735 = arith.extui %sign3A_734 : i1 to i32
      %sign3A_736 = arith.subi %sign3A_732, %sign3A_735 : i32
      %sign3A_737 = arith.constant 0 : i32
      %sign3A_738 = arith.cmpi sgt, %jit3A_728, %sign3A_737 : i32
      %sign3A_739 = arith.extui %sign3A_738 : i1 to i32
      %sign3A_740 = arith.constant 0 : i32
      %sign3A_741 = arith.cmpi slt, %jit3A_728, %sign3A_740 : i32
      %sign3A_742 = arith.extui %sign3A_741 : i1 to i32
      %sign3A_743 = arith.subi %sign3A_739, %sign3A_742 : i32
      %ne3A_744 = arith.cmpi ne, %sign3A_736, %sign3A_743 : i32
      %rem3A_745 = arith.remsi %add3A_721, %jit3A_728 : i32
      %ne3A_746 = arith.constant 0 : i32
      %ne3A_747 = arith.cmpi ne, %rem3A_745, %ne3A_746 : i32
      %and3A_748 = arith.andi %ne3A_744, %ne3A_747 : i1
      %sub3A_749 = arith.constant 1 : i32
      %sub3A_750 = arith.subi %div3A_729, %sub3A_749 : i32
      %select_n3A_751 = arith.select %and3A_748, %sub3A_750, %div3A_729 : i32
      %mul3A_752 = arith.constant 8192 : i32
      %mul3A_753 = arith.muli %select_n3A_751, %mul3A_752 : i32
      %jit3A_754 = arith.constant 2 : i32
      %eq3A_755 = arith.constant 0 : i32
      %eq3A_756 = arith.cmpi eq, %jit3A_754, %eq3A_755 : i32
      %jit3A_757 = arith.constant 1 : i32
      %select_n3A_758 = arith.select %eq3A_756, %jit3A_757, %jit3A_754 : i32
      %rem3A_759 = arith.remsi %add3A_721, %select_n3A_758 : i32
      %ne3A_760 = arith.constant 0 : i32
      %ne3A_761 = arith.cmpi ne, %rem3A_759, %ne3A_760 : i32
      %lt3A_762 = arith.constant 0 : i32
      %lt3A_763 = arith.cmpi slt, %rem3A_759, %lt3A_762 : i32
      %lt3A_764 = arith.constant 0 : i32
      %lt3A_765 = arith.cmpi slt, %select_n3A_758, %lt3A_764 : i32
      %ne3A_766 = arith.xori %lt3A_763, %lt3A_765 : i1
      %and3A_767 = arith.andi %ne3A_766, %ne3A_761 : i1
      %add3A_768 = arith.addi %rem3A_759, %select_n3A_758 : i32
      %select_n3A_769 = arith.select %and3A_767, %add3A_768, %rem3A_759 : i32
      %mul3A_770 = arith.constant 128 : i32
      %mul3A_771 = arith.muli %select_n3A_769, %mul3A_770 : i32
      %add3A_772 = arith.addi %mul3A_753, %mul3A_771 : i32
      %add3A_773 = arith.addi %add3A_772, %mul3A_2 : i32
      %dma_start3A_774 = arith.constant 0 : i32
      %dma_start3A_775 = tpu.memref_slice %arg4[%add3A_773, %dma_start3A_774] : memref<49152x128xf32, #tpu.memory_space<hbm>> -> memref<128x128xf32, #tpu.memory_space<hbm>>
      %dma_start3A_776 = arith.constant 0 : i32
      %dma_start3A_777 = tpu.memref_slice %arg4[%add3A_773, %dma_start3A_776] : memref<49152x128xf32, #tpu.memory_space<hbm>> -> memref<128x128xf32, #tpu.memory_space<hbm>>
      tpu.enqueue_dma source(%arg8 : memref<128x128xf32, #tpu.memory_space<vmem>>) target(%dma_start3A_777 : memref<128x128xf32, #tpu.memory_space<hbm>>) target_semaphore(%arg20 : memref<!tpu.dma_semaphore, #tpu.memory_space<semaphore_mem>>)
      %lt3A_778 = arith.constant 1 : i32
      %lt3A_779 = arith.cmpi slt, %scan3A_664, %lt3A_778 : i32
      %convert_element_type3A_780 = arith.extui %lt3A_779 : i1 to i32
      %cond3A_781 = arith.constant 0 : i32
      %cond3A_782 = arith.cmpi ne, %convert_element_type3A_780, %cond3A_781 : i32
      scf.if %cond3A_782 {
        %dma_wait3A_1043 = arith.constant 0 : i32
        %dma_wait3A_1044 = arith.constant 0 : i32
        %dma_wait3A_1045 = tpu.memref_slice %arg4[%dma_wait3A_1043, %dma_wait3A_1044] : memref<49152x128xf32, #tpu.memory_space<hbm>> -> memref<128x128xf32, #tpu.memory_space<hbm>>
        %dma_wait3A_1046 = arith.constant 0 : i32
        %dma_wait3A_1047 = arith.constant 0 : i32
        %dma_wait3A_1048 = tpu.memref_slice %arg4[%dma_wait3A_1046, %dma_wait3A_1047] : memref<49152x128xf32, #tpu.memory_space<hbm>> -> memref<128x128xf32, #tpu.memory_space<hbm>>
        tpu.wait_dma2 semaphore(%arg20 : memref<!tpu.dma_semaphore, #tpu.memory_space<semaphore_mem>>) src(%arg8 : memref<128x128xf32, #tpu.memory_space<vmem>>) dst(%dma_wait3A_1048 : memref<128x128xf32, #tpu.memory_space<hbm>>)
        %add3A_1049 = arith.constant 6 : i32
        %add3A_1050 = arith.addi %add3A_721, %add3A_1049 : i32
        %dma_start3A_1051 = arith.constant 0 : i32
        %dma_start3A_1052 = tpu.memref_slice %arg6[%add3A_1050, %dma_start3A_1051] : memref<12x128xi32, #tpu.memory_space<vmem>> -> memref<1x128xi32, #tpu.memory_space<vmem>>
        %dma_start3A_1053 = tpu.memref_squeeze %dma_start3A_1052 : memref<1x128xi32, #tpu.memory_space<vmem>> -> memref<128xi32, #tpu.memory_space<vmem>>
        %dma_start3A_1054 = arith.constant 0 : i32
        %dma_start3A_1055 = arith.constant 0 : i32
        %dma_start3A_1056 = tpu.memref_slice %arg2[%dma_start3A_1054, %dma_start3A_1055] : memref<600000x128xf32, #tpu.memory_space<hbm>> -> memref<600000x128xf32, #tpu.memory_space<hbm>>
        tpu.enqueue_indirect_dma source(%dma_start3A_1056 : memref<600000x128xf32, #tpu.memory_space<hbm>>) target(%arg8 : memref<128x128xf32, #tpu.memory_space<vmem>>) offsets(%dma_start3A_1053 : memref<128xi32, #tpu.memory_space<vmem>>) semaphore(%arg14 : memref<!tpu.dma_semaphore, #tpu.memory_space<semaphore_mem>>)
      } else {
      }
      %mul3A_783 = arith.constant 6 : i32
      %mul3A_784 = arith.muli %scan3A_664, %mul3A_783 : i32
      %add3A_785 = arith.constant 2 : i32
      %add3A_786 = arith.addi %mul3A_784, %add3A_785 : i32
      %dma_wait3A_787 = arith.constant 0 : i32
      %dma_wait3A_788 = arith.constant 0 : i32
      %dma_wait3A_789 = tpu.memref_slice %arg2[%dma_wait3A_787, %dma_wait3A_788] : memref<600000x128xf32, #tpu.memory_space<hbm>> -> memref<128x128xf32, #tpu.memory_space<hbm>>
      %dma_wait3A_790 = arith.constant 0 : i32
      %dma_wait3A_791 = arith.constant 0 : i32
      %dma_wait3A_792 = tpu.memref_slice %arg2[%dma_wait3A_790, %dma_wait3A_791] : memref<600000x128xf32, #tpu.memory_space<hbm>> -> memref<128x128xf32, #tpu.memory_space<hbm>>
      tpu.wait_dma2 semaphore(%arg15 : memref<!tpu.dma_semaphore, #tpu.memory_space<semaphore_mem>>) src(%dma_wait3A_792 : memref<128x128xf32, #tpu.memory_space<hbm>>) dst(%arg9 : memref<128x128xf32, #tpu.memory_space<vmem>>)
      %jit3A_793 = arith.constant 2 : i32
      %div3A_794 = arith.divsi %add3A_786, %jit3A_793 : i32
      %sign3A_795 = arith.constant 0 : i32
      %sign3A_796 = arith.cmpi sgt, %add3A_786, %sign3A_795 : i32
      %sign3A_797 = arith.extui %sign3A_796 : i1 to i32
      %sign3A_798 = arith.constant 0 : i32
      %sign3A_799 = arith.cmpi slt, %add3A_786, %sign3A_798 : i32
      %sign3A_800 = arith.extui %sign3A_799 : i1 to i32
      %sign3A_801 = arith.subi %sign3A_797, %sign3A_800 : i32
      %sign3A_802 = arith.constant 0 : i32
      %sign3A_803 = arith.cmpi sgt, %jit3A_793, %sign3A_802 : i32
      %sign3A_804 = arith.extui %sign3A_803 : i1 to i32
      %sign3A_805 = arith.constant 0 : i32
      %sign3A_806 = arith.cmpi slt, %jit3A_793, %sign3A_805 : i32
      %sign3A_807 = arith.extui %sign3A_806 : i1 to i32
      %sign3A_808 = arith.subi %sign3A_804, %sign3A_807 : i32
      %ne3A_809 = arith.cmpi ne, %sign3A_801, %sign3A_808 : i32
      %rem3A_810 = arith.remsi %add3A_786, %jit3A_793 : i32
      %ne3A_811 = arith.constant 0 : i32
      %ne3A_812 = arith.cmpi ne, %rem3A_810, %ne3A_811 : i32
      %and3A_813 = arith.andi %ne3A_809, %ne3A_812 : i1
      %sub3A_814 = arith.constant 1 : i32
      %sub3A_815 = arith.subi %div3A_794, %sub3A_814 : i32
      %select_n3A_816 = arith.select %and3A_813, %sub3A_815, %div3A_794 : i32
      %mul3A_817 = arith.constant 8192 : i32
      %mul3A_818 = arith.muli %select_n3A_816, %mul3A_817 : i32
      %jit3A_819 = arith.constant 2 : i32
      %eq3A_820 = arith.constant 0 : i32
      %eq3A_821 = arith.cmpi eq, %jit3A_819, %eq3A_820 : i32
      %jit3A_822 = arith.constant 1 : i32
      %select_n3A_823 = arith.select %eq3A_821, %jit3A_822, %jit3A_819 : i32
      %rem3A_824 = arith.remsi %add3A_786, %select_n3A_823 : i32
      %ne3A_825 = arith.constant 0 : i32
      %ne3A_826 = arith.cmpi ne, %rem3A_824, %ne3A_825 : i32
      %lt3A_827 = arith.constant 0 : i32
      %lt3A_828 = arith.cmpi slt, %rem3A_824, %lt3A_827 : i32
      %lt3A_829 = arith.constant 0 : i32
      %lt3A_830 = arith.cmpi slt, %select_n3A_823, %lt3A_829 : i32
      %ne3A_831 = arith.xori %lt3A_828, %lt3A_830 : i1
      %and3A_832 = arith.andi %ne3A_831, %ne3A_826 : i1
      %add3A_833 = arith.addi %rem3A_824, %select_n3A_823 : i32
      %select_n3A_834 = arith.select %and3A_832, %add3A_833, %rem3A_824 : i32
      %mul3A_835 = arith.constant 128 : i32
      %mul3A_836 = arith.muli %select_n3A_834, %mul3A_835 : i32
      %add3A_837 = arith.addi %mul3A_818, %mul3A_836 : i32
      %add3A_838 = arith.addi %add3A_837, %mul3A_2 : i32
      %dma_start3A_839 = arith.constant 0 : i32
      %dma_start3A_840 = tpu.memref_slice %arg4[%add3A_838, %dma_start3A_839] : memref<49152x128xf32, #tpu.memory_space<hbm>> -> memref<128x128xf32, #tpu.memory_space<hbm>>
      %dma_start3A_841 = arith.constant 0 : i32
      %dma_start3A_842 = tpu.memref_slice %arg4[%add3A_838, %dma_start3A_841] : memref<49152x128xf32, #tpu.memory_space<hbm>> -> memref<128x128xf32, #tpu.memory_space<hbm>>
      tpu.enqueue_dma source(%arg9 : memref<128x128xf32, #tpu.memory_space<vmem>>) target(%dma_start3A_842 : memref<128x128xf32, #tpu.memory_space<hbm>>) target_semaphore(%arg21 : memref<!tpu.dma_semaphore, #tpu.memory_space<semaphore_mem>>)
      %lt3A_843 = arith.constant 1 : i32
      %lt3A_844 = arith.cmpi slt, %scan3A_664, %lt3A_843 : i32
      %convert_element_type3A_845 = arith.extui %lt3A_844 : i1 to i32
      %cond3A_846 = arith.constant 0 : i32
      %cond3A_847 = arith.cmpi ne, %convert_element_type3A_845, %cond3A_846 : i32
      scf.if %cond3A_847 {
        %dma_wait3A_1043 = arith.constant 0 : i32
        %dma_wait3A_1044 = arith.constant 0 : i32
        %dma_wait3A_1045 = tpu.memref_slice %arg4[%dma_wait3A_1043, %dma_wait3A_1044] : memref<49152x128xf32, #tpu.memory_space<hbm>> -> memref<128x128xf32, #tpu.memory_space<hbm>>
        %dma_wait3A_1046 = arith.constant 0 : i32
        %dma_wait3A_1047 = arith.constant 0 : i32
        %dma_wait3A_1048 = tpu.memref_slice %arg4[%dma_wait3A_1046, %dma_wait3A_1047] : memref<49152x128xf32, #tpu.memory_space<hbm>> -> memref<128x128xf32, #tpu.memory_space<hbm>>
        tpu.wait_dma2 semaphore(%arg21 : memref<!tpu.dma_semaphore, #tpu.memory_space<semaphore_mem>>) src(%arg9 : memref<128x128xf32, #tpu.memory_space<vmem>>) dst(%dma_wait3A_1048 : memref<128x128xf32, #tpu.memory_space<hbm>>)
        %add3A_1049 = arith.constant 6 : i32
        %add3A_1050 = arith.addi %add3A_786, %add3A_1049 : i32
        %dma_start3A_1051 = arith.constant 0 : i32
        %dma_start3A_1052 = tpu.memref_slice %arg6[%add3A_1050, %dma_start3A_1051] : memref<12x128xi32, #tpu.memory_space<vmem>> -> memref<1x128xi32, #tpu.memory_space<vmem>>
        %dma_start3A_1053 = tpu.memref_squeeze %dma_start3A_1052 : memref<1x128xi32, #tpu.memory_space<vmem>> -> memref<128xi32, #tpu.memory_space<vmem>>
        %dma_start3A_1054 = arith.constant 0 : i32
        %dma_start3A_1055 = arith.constant 0 : i32
        %dma_start3A_1056 = tpu.memref_slice %arg2[%dma_start3A_1054, %dma_start3A_1055] : memref<600000x128xf32, #tpu.memory_space<hbm>> -> memref<600000x128xf32, #tpu.memory_space<hbm>>
        tpu.enqueue_indirect_dma source(%dma_start3A_1056 : memref<600000x128xf32, #tpu.memory_space<hbm>>) target(%arg9 : memref<128x128xf32, #tpu.memory_space<vmem>>) offsets(%dma_start3A_1053 : memref<128xi32, #tpu.memory_space<vmem>>) semaphore(%arg15 : memref<!tpu.dma_semaphore, #tpu.memory_space<semaphore_mem>>)
      } else {
      }
      %mul3A_848 = arith.constant 6 : i32
      %mul3A_849 = arith.muli %scan3A_664, %mul3A_848 : i32
      %add3A_850 = arith.constant 3 : i32
      %add3A_851 = arith.addi %mul3A_849, %add3A_850 : i32
      %dma_wait3A_852 = arith.constant 0 : i32
      %dma_wait3A_853 = arith.constant 0 : i32
      %dma_wait3A_854 = tpu.memref_slice %arg2[%dma_wait3A_852, %dma_wait3A_853] : memref<600000x128xf32, #tpu.memory_space<hbm>> -> memref<128x128xf32, #tpu.memory_space<hbm>>
      %dma_wait3A_855 = arith.constant 0 : i32
      %dma_wait3A_856 = arith.constant 0 : i32
      %dma_wait3A_857 = tpu.memref_slice %arg2[%dma_wait3A_855, %dma_wait3A_856] : memref<600000x128xf32, #tpu.memory_space<hbm>> -> memref<128x128xf32, #tpu.memory_space<hbm>>
      tpu.wait_dma2 semaphore(%arg16 : memref<!tpu.dma_semaphore, #tpu.memory_space<semaphore_mem>>) src(%dma_wait3A_857 : memref<128x128xf32, #tpu.memory_space<hbm>>) dst(%arg10 : memref<128x128xf32, #tpu.memory_space<vmem>>)
      %jit3A_858 = arith.constant 2 : i32
      %div3A_859 = arith.divsi %add3A_851, %jit3A_858 : i32
      %sign3A_860 = arith.constant 0 : i32
      %sign3A_861 = arith.cmpi sgt, %add3A_851, %sign3A_860 : i32
      %sign3A_862 = arith.extui %sign3A_861 : i1 to i32
      %sign3A_863 = arith.constant 0 : i32
      %sign3A_864 = arith.cmpi slt, %add3A_851, %sign3A_863 : i32
      %sign3A_865 = arith.extui %sign3A_864 : i1 to i32
      %sign3A_866 = arith.subi %sign3A_862, %sign3A_865 : i32
      %sign3A_867 = arith.constant 0 : i32
      %sign3A_868 = arith.cmpi sgt, %jit3A_858, %sign3A_867 : i32
      %sign3A_869 = arith.extui %sign3A_868 : i1 to i32
      %sign3A_870 = arith.constant 0 : i32
      %sign3A_871 = arith.cmpi slt, %jit3A_858, %sign3A_870 : i32
      %sign3A_872 = arith.extui %sign3A_871 : i1 to i32
      %sign3A_873 = arith.subi %sign3A_869, %sign3A_872 : i32
      %ne3A_874 = arith.cmpi ne, %sign3A_866, %sign3A_873 : i32
      %rem3A_875 = arith.remsi %add3A_851, %jit3A_858 : i32
      %ne3A_876 = arith.constant 0 : i32
      %ne3A_877 = arith.cmpi ne, %rem3A_875, %ne3A_876 : i32
      %and3A_878 = arith.andi %ne3A_874, %ne3A_877 : i1
      %sub3A_879 = arith.constant 1 : i32
      %sub3A_880 = arith.subi %div3A_859, %sub3A_879 : i32
      %select_n3A_881 = arith.select %and3A_878, %sub3A_880, %div3A_859 : i32
      %mul3A_882 = arith.constant 8192 : i32
      %mul3A_883 = arith.muli %select_n3A_881, %mul3A_882 : i32
      %jit3A_884 = arith.constant 2 : i32
      %eq3A_885 = arith.constant 0 : i32
      %eq3A_886 = arith.cmpi eq, %jit3A_884, %eq3A_885 : i32
      %jit3A_887 = arith.constant 1 : i32
      %select_n3A_888 = arith.select %eq3A_886, %jit3A_887, %jit3A_884 : i32
      %rem3A_889 = arith.remsi %add3A_851, %select_n3A_888 : i32
      %ne3A_890 = arith.constant 0 : i32
      %ne3A_891 = arith.cmpi ne, %rem3A_889, %ne3A_890 : i32
      %lt3A_892 = arith.constant 0 : i32
      %lt3A_893 = arith.cmpi slt, %rem3A_889, %lt3A_892 : i32
      %lt3A_894 = arith.constant 0 : i32
      %lt3A_895 = arith.cmpi slt, %select_n3A_888, %lt3A_894 : i32
      %ne3A_896 = arith.xori %lt3A_893, %lt3A_895 : i1
      %and3A_897 = arith.andi %ne3A_896, %ne3A_891 : i1
      %add3A_898 = arith.addi %rem3A_889, %select_n3A_888 : i32
      %select_n3A_899 = arith.select %and3A_897, %add3A_898, %rem3A_889 : i32
      %mul3A_900 = arith.constant 128 : i32
      %mul3A_901 = arith.muli %select_n3A_899, %mul3A_900 : i32
      %add3A_902 = arith.addi %mul3A_883, %mul3A_901 : i32
      %add3A_903 = arith.addi %add3A_902, %mul3A_2 : i32
      %dma_start3A_904 = arith.constant 0 : i32
      %dma_start3A_905 = tpu.memref_slice %arg4[%add3A_903, %dma_start3A_904] : memref<49152x128xf32, #tpu.memory_space<hbm>> -> memref<128x128xf32, #tpu.memory_space<hbm>>
      %dma_start3A_906 = arith.constant 0 : i32
      %dma_start3A_907 = tpu.memref_slice %arg4[%add3A_903, %dma_start3A_906] : memref<49152x128xf32, #tpu.memory_space<hbm>> -> memref<128x128xf32, #tpu.memory_space<hbm>>
      tpu.enqueue_dma source(%arg10 : memref<128x128xf32, #tpu.memory_space<vmem>>) target(%dma_start3A_907 : memref<128x128xf32, #tpu.memory_space<hbm>>) target_semaphore(%arg22 : memref<!tpu.dma_semaphore, #tpu.memory_space<semaphore_mem>>)
      %lt3A_908 = arith.constant 1 : i32
      %lt3A_909 = arith.cmpi slt, %scan3A_664, %lt3A_908 : i32
      %convert_element_type3A_910 = arith.extui %lt3A_909 : i1 to i32
      %cond3A_911 = arith.constant 0 : i32
      %cond3A_912 = arith.cmpi ne, %convert_element_type3A_910, %cond3A_911 : i32
      scf.if %cond3A_912 {
        %dma_wait3A_1043 = arith.constant 0 : i32
        %dma_wait3A_1044 = arith.constant 0 : i32
        %dma_wait3A_1045 = tpu.memref_slice %arg4[%dma_wait3A_1043, %dma_wait3A_1044] : memref<49152x128xf32, #tpu.memory_space<hbm>> -> memref<128x128xf32, #tpu.memory_space<hbm>>
        %dma_wait3A_1046 = arith.constant 0 : i32
        %dma_wait3A_1047 = arith.constant 0 : i32
        %dma_wait3A_1048 = tpu.memref_slice %arg4[%dma_wait3A_1046, %dma_wait3A_1047] : memref<49152x128xf32, #tpu.memory_space<hbm>> -> memref<128x128xf32, #tpu.memory_space<hbm>>
        tpu.wait_dma2 semaphore(%arg22 : memref<!tpu.dma_semaphore, #tpu.memory_space<semaphore_mem>>) src(%arg10 : memref<128x128xf32, #tpu.memory_space<vmem>>) dst(%dma_wait3A_1048 : memref<128x128xf32, #tpu.memory_space<hbm>>)
        %add3A_1049 = arith.constant 6 : i32
        %add3A_1050 = arith.addi %add3A_851, %add3A_1049 : i32
        %dma_start3A_1051 = arith.constant 0 : i32
        %dma_start3A_1052 = tpu.memref_slice %arg6[%add3A_1050, %dma_start3A_1051] : memref<12x128xi32, #tpu.memory_space<vmem>> -> memref<1x128xi32, #tpu.memory_space<vmem>>
        %dma_start3A_1053 = tpu.memref_squeeze %dma_start3A_1052 : memref<1x128xi32, #tpu.memory_space<vmem>> -> memref<128xi32, #tpu.memory_space<vmem>>
        %dma_start3A_1054 = arith.constant 0 : i32
        %dma_start3A_1055 = arith.constant 0 : i32
        %dma_start3A_1056 = tpu.memref_slice %arg2[%dma_start3A_1054, %dma_start3A_1055] : memref<600000x128xf32, #tpu.memory_space<hbm>> -> memref<600000x128xf32, #tpu.memory_space<hbm>>
        tpu.enqueue_indirect_dma source(%dma_start3A_1056 : memref<600000x128xf32, #tpu.memory_space<hbm>>) target(%arg10 : memref<128x128xf32, #tpu.memory_space<vmem>>) offsets(%dma_start3A_1053 : memref<128xi32, #tpu.memory_space<vmem>>) semaphore(%arg16 : memref<!tpu.dma_semaphore, #tpu.memory_space<semaphore_mem>>)
      } else {
      }
      %mul3A_913 = arith.constant 6 : i32
      %mul3A_914 = arith.muli %scan3A_664, %mul3A_913 : i32
      %add3A_915 = arith.constant 4 : i32
      %add3A_916 = arith.addi %mul3A_914, %add3A_915 : i32
      %dma_wait3A_917 = arith.constant 0 : i32
      %dma_wait3A_918 = arith.constant 0 : i32
      %dma_wait3A_919 = tpu.memref_slice %arg2[%dma_wait3A_917, %dma_wait3A_918] : memref<600000x128xf32, #tpu.memory_space<hbm>> -> memref<128x128xf32, #tpu.memory_space<hbm>>
      %dma_wait3A_920 = arith.constant 0 : i32
      %dma_wait3A_921 = arith.constant 0 : i32
      %dma_wait3A_922 = tpu.memref_slice %arg2[%dma_wait3A_920, %dma_wait3A_921] : memref<600000x128xf32, #tpu.memory_space<hbm>> -> memref<128x128xf32, #tpu.memory_space<hbm>>
      tpu.wait_dma2 semaphore(%arg17 : memref<!tpu.dma_semaphore, #tpu.memory_space<semaphore_mem>>) src(%dma_wait3A_922 : memref<128x128xf32, #tpu.memory_space<hbm>>) dst(%arg11 : memref<128x128xf32, #tpu.memory_space<vmem>>)
      %jit3A_923 = arith.constant 2 : i32
      %div3A_924 = arith.divsi %add3A_916, %jit3A_923 : i32
      %sign3A_925 = arith.constant 0 : i32
      %sign3A_926 = arith.cmpi sgt, %add3A_916, %sign3A_925 : i32
      %sign3A_927 = arith.extui %sign3A_926 : i1 to i32
      %sign3A_928 = arith.constant 0 : i32
      %sign3A_929 = arith.cmpi slt, %add3A_916, %sign3A_928 : i32
      %sign3A_930 = arith.extui %sign3A_929 : i1 to i32
      %sign3A_931 = arith.subi %sign3A_927, %sign3A_930 : i32
      %sign3A_932 = arith.constant 0 : i32
      %sign3A_933 = arith.cmpi sgt, %jit3A_923, %sign3A_932 : i32
      %sign3A_934 = arith.extui %sign3A_933 : i1 to i32
      %sign3A_935 = arith.constant 0 : i32
      %sign3A_936 = arith.cmpi slt, %jit3A_923, %sign3A_935 : i32
      %sign3A_937 = arith.extui %sign3A_936 : i1 to i32
      %sign3A_938 = arith.subi %sign3A_934, %sign3A_937 : i32
      %ne3A_939 = arith.cmpi ne, %sign3A_931, %sign3A_938 : i32
      %rem3A_940 = arith.remsi %add3A_916, %jit3A_923 : i32
      %ne3A_941 = arith.constant 0 : i32
      %ne3A_942 = arith.cmpi ne, %rem3A_940, %ne3A_941 : i32
      %and3A_943 = arith.andi %ne3A_939, %ne3A_942 : i1
      %sub3A_944 = arith.constant 1 : i32
      %sub3A_945 = arith.subi %div3A_924, %sub3A_944 : i32
      %select_n3A_946 = arith.select %and3A_943, %sub3A_945, %div3A_924 : i32
      %mul3A_947 = arith.constant 8192 : i32
      %mul3A_948 = arith.muli %select_n3A_946, %mul3A_947 : i32
      %jit3A_949 = arith.constant 2 : i32
      %eq3A_950 = arith.constant 0 : i32
      %eq3A_951 = arith.cmpi eq, %jit3A_949, %eq3A_950 : i32
      %jit3A_952 = arith.constant 1 : i32
      %select_n3A_953 = arith.select %eq3A_951, %jit3A_952, %jit3A_949 : i32
      %rem3A_954 = arith.remsi %add3A_916, %select_n3A_953 : i32
      %ne3A_955 = arith.constant 0 : i32
      %ne3A_956 = arith.cmpi ne, %rem3A_954, %ne3A_955 : i32
      %lt3A_957 = arith.constant 0 : i32
      %lt3A_958 = arith.cmpi slt, %rem3A_954, %lt3A_957 : i32
      %lt3A_959 = arith.constant 0 : i32
      %lt3A_960 = arith.cmpi slt, %select_n3A_953, %lt3A_959 : i32
      %ne3A_961 = arith.xori %lt3A_958, %lt3A_960 : i1
      %and3A_962 = arith.andi %ne3A_961, %ne3A_956 : i1
      %add3A_963 = arith.addi %rem3A_954, %select_n3A_953 : i32
      %select_n3A_964 = arith.select %and3A_962, %add3A_963, %rem3A_954 : i32
      %mul3A_965 = arith.constant 128 : i32
      %mul3A_966 = arith.muli %select_n3A_964, %mul3A_965 : i32
      %add3A_967 = arith.addi %mul3A_948, %mul3A_966 : i32
      %add3A_968 = arith.addi %add3A_967, %mul3A_2 : i32
      %dma_start3A_969 = arith.constant 0 : i32
      %dma_start3A_970 = tpu.memref_slice %arg4[%add3A_968, %dma_start3A_969] : memref<49152x128xf32, #tpu.memory_space<hbm>> -> memref<128x128xf32, #tpu.memory_space<hbm>>
      %dma_start3A_971 = arith.constant 0 : i32
      %dma_start3A_972 = tpu.memref_slice %arg4[%add3A_968, %dma_start3A_971] : memref<49152x128xf32, #tpu.memory_space<hbm>> -> memref<128x128xf32, #tpu.memory_space<hbm>>
      tpu.enqueue_dma source(%arg11 : memref<128x128xf32, #tpu.memory_space<vmem>>) target(%dma_start3A_972 : memref<128x128xf32, #tpu.memory_space<hbm>>) target_semaphore(%arg23 : memref<!tpu.dma_semaphore, #tpu.memory_space<semaphore_mem>>)
      %lt3A_973 = arith.constant 1 : i32
      %lt3A_974 = arith.cmpi slt, %scan3A_664, %lt3A_973 : i32
      %convert_element_type3A_975 = arith.extui %lt3A_974 : i1 to i32
      %cond3A_976 = arith.constant 0 : i32
      %cond3A_977 = arith.cmpi ne, %convert_element_type3A_975, %cond3A_976 : i32
      scf.if %cond3A_977 {
        %dma_wait3A_1043 = arith.constant 0 : i32
        %dma_wait3A_1044 = arith.constant 0 : i32
        %dma_wait3A_1045 = tpu.memref_slice %arg4[%dma_wait3A_1043, %dma_wait3A_1044] : memref<49152x128xf32, #tpu.memory_space<hbm>> -> memref<128x128xf32, #tpu.memory_space<hbm>>
        %dma_wait3A_1046 = arith.constant 0 : i32
        %dma_wait3A_1047 = arith.constant 0 : i32
        %dma_wait3A_1048 = tpu.memref_slice %arg4[%dma_wait3A_1046, %dma_wait3A_1047] : memref<49152x128xf32, #tpu.memory_space<hbm>> -> memref<128x128xf32, #tpu.memory_space<hbm>>
        tpu.wait_dma2 semaphore(%arg23 : memref<!tpu.dma_semaphore, #tpu.memory_space<semaphore_mem>>) src(%arg11 : memref<128x128xf32, #tpu.memory_space<vmem>>) dst(%dma_wait3A_1048 : memref<128x128xf32, #tpu.memory_space<hbm>>)
        %add3A_1049 = arith.constant 6 : i32
        %add3A_1050 = arith.addi %add3A_916, %add3A_1049 : i32
        %dma_start3A_1051 = arith.constant 0 : i32
        %dma_start3A_1052 = tpu.memref_slice %arg6[%add3A_1050, %dma_start3A_1051] : memref<12x128xi32, #tpu.memory_space<vmem>> -> memref<1x128xi32, #tpu.memory_space<vmem>>
        %dma_start3A_1053 = tpu.memref_squeeze %dma_start3A_1052 : memref<1x128xi32, #tpu.memory_space<vmem>> -> memref<128xi32, #tpu.memory_space<vmem>>
        %dma_start3A_1054 = arith.constant 0 : i32
        %dma_start3A_1055 = arith.constant 0 : i32
        %dma_start3A_1056 = tpu.memref_slice %arg2[%dma_start3A_1054, %dma_start3A_1055] : memref<600000x128xf32, #tpu.memory_space<hbm>> -> memref<600000x128xf32, #tpu.memory_space<hbm>>
        tpu.enqueue_indirect_dma source(%dma_start3A_1056 : memref<600000x128xf32, #tpu.memory_space<hbm>>) target(%arg11 : memref<128x128xf32, #tpu.memory_space<vmem>>) offsets(%dma_start3A_1053 : memref<128xi32, #tpu.memory_space<vmem>>) semaphore(%arg17 : memref<!tpu.dma_semaphore, #tpu.memory_space<semaphore_mem>>)
      } else {
      }
      %mul3A_978 = arith.constant 6 : i32
      %mul3A_979 = arith.muli %scan3A_664, %mul3A_978 : i32
      %add3A_980 = arith.constant 5 : i32
      %add3A_981 = arith.addi %mul3A_979, %add3A_980 : i32
      %dma_wait3A_982 = arith.constant 0 : i32
      %dma_wait3A_983 = arith.constant 0 : i32
      %dma_wait3A_984 = tpu.memref_slice %arg2[%dma_wait3A_982, %dma_wait3A_983] : memref<600000x128xf32, #tpu.memory_space<hbm>> -> memref<128x128xf32, #tpu.memory_space<hbm>>
      %dma_wait3A_985 = arith.constant 0 : i32
      %dma_wait3A_986 = arith.constant 0 : i32
      %dma_wait3A_987 = tpu.memref_slice %arg2[%dma_wait3A_985, %dma_wait3A_986] : memref<600000x128xf32, #tpu.memory_space<hbm>> -> memref<128x128xf32, #tpu.memory_space<hbm>>
      tpu.wait_dma2 semaphore(%arg18 : memref<!tpu.dma_semaphore, #tpu.memory_space<semaphore_mem>>) src(%dma_wait3A_987 : memref<128x128xf32, #tpu.memory_space<hbm>>) dst(%arg12 : memref<128x128xf32, #tpu.memory_space<vmem>>)
      %jit3A_988 = arith.constant 2 : i32
      %div3A_989 = arith.divsi %add3A_981, %jit3A_988 : i32
      %sign3A_990 = arith.constant 0 : i32
      %sign3A_991 = arith.cmpi sgt, %add3A_981, %sign3A_990 : i32
      %sign3A_992 = arith.extui %sign3A_991 : i1 to i32
      %sign3A_993 = arith.constant 0 : i32
      %sign3A_994 = arith.cmpi slt, %add3A_981, %sign3A_993 : i32
      %sign3A_995 = arith.extui %sign3A_994 : i1 to i32
      %sign3A_996 = arith.subi %sign3A_992, %sign3A_995 : i32
      %sign3A_997 = arith.constant 0 : i32
      %sign3A_998 = arith.cmpi sgt, %jit3A_988, %sign3A_997 : i32
      %sign3A_999 = arith.extui %sign3A_998 : i1 to i32
      %sign3A_1000 = arith.constant 0 : i32
      %sign3A_1001 = arith.cmpi slt, %jit3A_988, %sign3A_1000 : i32
      %sign3A_1002 = arith.extui %sign3A_1001 : i1 to i32
      %sign3A_1003 = arith.subi %sign3A_999, %sign3A_1002 : i32
      %ne3A_1004 = arith.cmpi ne, %sign3A_996, %sign3A_1003 : i32
      %rem3A_1005 = arith.remsi %add3A_981, %jit3A_988 : i32
      %ne3A_1006 = arith.constant 0 : i32
      %ne3A_1007 = arith.cmpi ne, %rem3A_1005, %ne3A_1006 : i32
      %and3A_1008 = arith.andi %ne3A_1004, %ne3A_1007 : i1
      %sub3A_1009 = arith.constant 1 : i32
      %sub3A_1010 = arith.subi %div3A_989, %sub3A_1009 : i32
      %select_n3A_1011 = arith.select %and3A_1008, %sub3A_1010, %div3A_989 : i32
      %mul3A_1012 = arith.constant 8192 : i32
      %mul3A_1013 = arith.muli %select_n3A_1011, %mul3A_1012 : i32
      %jit3A_1014 = arith.constant 2 : i32
      %eq3A_1015 = arith.constant 0 : i32
      %eq3A_1016 = arith.cmpi eq, %jit3A_1014, %eq3A_1015 : i32
      %jit3A_1017 = arith.constant 1 : i32
      %select_n3A_1018 = arith.select %eq3A_1016, %jit3A_1017, %jit3A_1014 : i32
      %rem3A_1019 = arith.remsi %add3A_981, %select_n3A_1018 : i32
      %ne3A_1020 = arith.constant 0 : i32
      %ne3A_1021 = arith.cmpi ne, %rem3A_1019, %ne3A_1020 : i32
      %lt3A_1022 = arith.constant 0 : i32
      %lt3A_1023 = arith.cmpi slt, %rem3A_1019, %lt3A_1022 : i32
      %lt3A_1024 = arith.constant 0 : i32
      %lt3A_1025 = arith.cmpi slt, %select_n3A_1018, %lt3A_1024 : i32
      %ne3A_1026 = arith.xori %lt3A_1023, %lt3A_1025 : i1
      %and3A_1027 = arith.andi %ne3A_1026, %ne3A_1021 : i1
      %add3A_1028 = arith.addi %rem3A_1019, %select_n3A_1018 : i32
      %select_n3A_1029 = arith.select %and3A_1027, %add3A_1028, %rem3A_1019 : i32
      %mul3A_1030 = arith.constant 128 : i32
      %mul3A_1031 = arith.muli %select_n3A_1029, %mul3A_1030 : i32
      %add3A_1032 = arith.addi %mul3A_1013, %mul3A_1031 : i32
      %add3A_1033 = arith.addi %add3A_1032, %mul3A_2 : i32
      %dma_start3A_1034 = arith.constant 0 : i32
      %dma_start3A_1035 = tpu.memref_slice %arg4[%add3A_1033, %dma_start3A_1034] : memref<49152x128xf32, #tpu.memory_space<hbm>> -> memref<128x128xf32, #tpu.memory_space<hbm>>
      %dma_start3A_1036 = arith.constant 0 : i32
      %dma_start3A_1037 = tpu.memref_slice %arg4[%add3A_1033, %dma_start3A_1036] : memref<49152x128xf32, #tpu.memory_space<hbm>> -> memref<128x128xf32, #tpu.memory_space<hbm>>
      tpu.enqueue_dma source(%arg12 : memref<128x128xf32, #tpu.memory_space<vmem>>) target(%dma_start3A_1037 : memref<128x128xf32, #tpu.memory_space<hbm>>) target_semaphore(%arg24 : memref<!tpu.dma_semaphore, #tpu.memory_space<semaphore_mem>>)
      %lt3A_1038 = arith.constant 1 : i32
      %lt3A_1039 = arith.cmpi slt, %scan3A_664, %lt3A_1038 : i32
      %convert_element_type3A_1040 = arith.extui %lt3A_1039 : i1 to i32
      %cond3A_1041 = arith.constant 0 : i32
      %cond3A_1042 = arith.cmpi ne, %convert_element_type3A_1040, %cond3A_1041 : i32
      scf.if %cond3A_1042 {
        %dma_wait3A_1043 = arith.constant 0 : i32
        %dma_wait3A_1044 = arith.constant 0 : i32
        %dma_wait3A_1045 = tpu.memref_slice %arg4[%dma_wait3A_1043, %dma_wait3A_1044] : memref<49152x128xf32, #tpu.memory_space<hbm>> -> memref<128x128xf32, #tpu.memory_space<hbm>>
        %dma_wait3A_1046 = arith.constant 0 : i32
        %dma_wait3A_1047 = arith.constant 0 : i32
        %dma_wait3A_1048 = tpu.memref_slice %arg4[%dma_wait3A_1046, %dma_wait3A_1047] : memref<49152x128xf32, #tpu.memory_space<hbm>> -> memref<128x128xf32, #tpu.memory_space<hbm>>
        tpu.wait_dma2 semaphore(%arg24 : memref<!tpu.dma_semaphore, #tpu.memory_space<semaphore_mem>>) src(%arg12 : memref<128x128xf32, #tpu.memory_space<vmem>>) dst(%dma_wait3A_1048 : memref<128x128xf32, #tpu.memory_space<hbm>>)
        %add3A_1049 = arith.constant 6 : i32
        %add3A_1050 = arith.addi %add3A_981, %add3A_1049 : i32
        %dma_start3A_1051 = arith.constant 0 : i32
        %dma_start3A_1052 = tpu.memref_slice %arg6[%add3A_1050, %dma_start3A_1051] : memref<12x128xi32, #tpu.memory_space<vmem>> -> memref<1x128xi32, #tpu.memory_space<vmem>>
        %dma_start3A_1053 = tpu.memref_squeeze %dma_start3A_1052 : memref<1x128xi32, #tpu.memory_space<vmem>> -> memref<128xi32, #tpu.memory_space<vmem>>
        %dma_start3A_1054 = arith.constant 0 : i32
        %dma_start3A_1055 = arith.constant 0 : i32
        %dma_start3A_1056 = tpu.memref_slice %arg2[%dma_start3A_1054, %dma_start3A_1055] : memref<600000x128xf32, #tpu.memory_space<hbm>> -> memref<600000x128xf32, #tpu.memory_space<hbm>>
        tpu.enqueue_indirect_dma source(%dma_start3A_1056 : memref<600000x128xf32, #tpu.memory_space<hbm>>) target(%arg12 : memref<128x128xf32, #tpu.memory_space<vmem>>) offsets(%dma_start3A_1053 : memref<128xi32, #tpu.memory_space<vmem>>) semaphore(%arg18 : memref<!tpu.dma_semaphore, #tpu.memory_space<semaphore_mem>>)
      } else {
      }
    }
    %scan3A_628 = arith.constant 2 : i32
    %dma_wait3A = arith.constant 0 : i32
    %dma_wait3A_629 = arith.constant 0 : i32
    %dma_wait3A_630 = tpu.memref_slice %arg4[%dma_wait3A, %dma_wait3A_629] : memref<49152x128xf32, #tpu.memory_space<hbm>> -> memref<128x128xf32, #tpu.memory_space<hbm>>
    %dma_wait3A_631 = arith.constant 0 : i32
    %dma_wait3A_632 = arith.constant 0 : i32
    %dma_wait3A_633 = tpu.memref_slice %arg4[%dma_wait3A_631, %dma_wait3A_632] : memref<49152x128xf32, #tpu.memory_space<hbm>> -> memref<128x128xf32, #tpu.memory_space<hbm>>
    tpu.wait_dma2 semaphore(%arg19 : memref<!tpu.dma_semaphore, #tpu.memory_space<semaphore_mem>>) src(%arg7 : memref<128x128xf32, #tpu.memory_space<vmem>>) dst(%dma_wait3A_633 : memref<128x128xf32, #tpu.memory_space<hbm>>)
    %dma_wait3A_634 = arith.constant 0 : i32
    %dma_wait3A_635 = arith.constant 0 : i32
    %dma_wait3A_636 = tpu.memref_slice %arg4[%dma_wait3A_634, %dma_wait3A_635] : memref<49152x128xf32, #tpu.memory_space<hbm>> -> memref<128x128xf32, #tpu.memory_space<hbm>>
    %dma_wait3A_637 = arith.constant 0 : i32
    %dma_wait3A_638 = arith.constant 0 : i32
    %dma_wait3A_639 = tpu.memref_slice %arg4[%dma_wait3A_637, %dma_wait3A_638] : memref<49152x128xf32, #tpu.memory_space<hbm>> -> memref<128x128xf32, #tpu.memory_space<hbm>>
    tpu.wait_dma2 semaphore(%arg20 : memref<!tpu.dma_semaphore, #tpu.memory_space<semaphore_mem>>) src(%arg8 : memref<128x128xf32, #tpu.memory_space<vmem>>) dst(%dma_wait3A_639 : memref<128x128xf32, #tpu.memory_space<hbm>>)
    %dma_wait3A_640 = arith.constant 0 : i32
    %dma_wait3A_641 = arith.constant 0 : i32
    %dma_wait3A_642 = tpu.memref_slice %arg4[%dma_wait3A_640, %dma_wait3A_641] : memref<49152x128xf32, #tpu.memory_space<hbm>> -> memref<128x128xf32, #tpu.memory_space<hbm>>
    %dma_wait3A_643 = arith.constant 0 : i32
    %dma_wait3A_644 = arith.constant 0 : i32
    %dma_wait3A_645 = tpu.memref_slice %arg4[%dma_wait3A_643, %dma_wait3A_644] : memref<49152x128xf32, #tpu.memory_space<hbm>> -> memref<128x128xf32, #tpu.memory_space<hbm>>
    tpu.wait_dma2 semaphore(%arg21 : memref<!tpu.dma_semaphore, #tpu.memory_space<semaphore_mem>>) src(%arg9 : memref<128x128xf32, #tpu.memory_space<vmem>>) dst(%dma_wait3A_645 : memref<128x128xf32, #tpu.memory_space<hbm>>)
    %dma_wait3A_646 = arith.constant 0 : i32
    %dma_wait3A_647 = arith.constant 0 : i32
    %dma_wait3A_648 = tpu.memref_slice %arg4[%dma_wait3A_646, %dma_wait3A_647] : memref<49152x128xf32, #tpu.memory_space<hbm>> -> memref<128x128xf32, #tpu.memory_space<hbm>>
    %dma_wait3A_649 = arith.constant 0 : i32
    %dma_wait3A_650 = arith.constant 0 : i32
    %dma_wait3A_651 = tpu.memref_slice %arg4[%dma_wait3A_649, %dma_wait3A_650] : memref<49152x128xf32, #tpu.memory_space<hbm>> -> memref<128x128xf32, #tpu.memory_space<hbm>>
    tpu.wait_dma2 semaphore(%arg22 : memref<!tpu.dma_semaphore, #tpu.memory_space<semaphore_mem>>) src(%arg10 : memref<128x128xf32, #tpu.memory_space<vmem>>) dst(%dma_wait3A_651 : memref<128x128xf32, #tpu.memory_space<hbm>>)
    %dma_wait3A_652 = arith.constant 0 : i32
    %dma_wait3A_653 = arith.constant 0 : i32
    %dma_wait3A_654 = tpu.memref_slice %arg4[%dma_wait3A_652, %dma_wait3A_653] : memref<49152x128xf32, #tpu.memory_space<hbm>> -> memref<128x128xf32, #tpu.memory_space<hbm>>
    %dma_wait3A_655 = arith.constant 0 : i32
    %dma_wait3A_656 = arith.constant 0 : i32
    %dma_wait3A_657 = tpu.memref_slice %arg4[%dma_wait3A_655, %dma_wait3A_656] : memref<49152x128xf32, #tpu.memory_space<hbm>> -> memref<128x128xf32, #tpu.memory_space<hbm>>
    tpu.wait_dma2 semaphore(%arg23 : memref<!tpu.dma_semaphore, #tpu.memory_space<semaphore_mem>>) src(%arg11 : memref<128x128xf32, #tpu.memory_space<vmem>>) dst(%dma_wait3A_657 : memref<128x128xf32, #tpu.memory_space<hbm>>)
    %dma_wait3A_658 = arith.constant 0 : i32
    %dma_wait3A_659 = arith.constant 0 : i32
    %dma_wait3A_660 = tpu.memref_slice %arg4[%dma_wait3A_658, %dma_wait3A_659] : memref<49152x128xf32, #tpu.memory_space<hbm>> -> memref<128x128xf32, #tpu.memory_space<hbm>>
    %dma_wait3A_661 = arith.constant 0 : i32
    %dma_wait3A_662 = arith.constant 0 : i32
    %dma_wait3A_663 = tpu.memref_slice %arg4[%dma_wait3A_661, %dma_wait3A_662] : memref<49152x128xf32, #tpu.memory_space<hbm>> -> memref<128x128xf32, #tpu.memory_space<hbm>>
    tpu.wait_dma2 semaphore(%arg24 : memref<!tpu.dma_semaphore, #tpu.memory_space<semaphore_mem>>) src(%arg12 : memref<128x128xf32, #tpu.memory_space<vmem>>) dst(%dma_wait3A_663 : memref<128x128xf32, #tpu.memory_space<hbm>>)
    return
  }
}

</mosaic_0001>

<sc_bundles>
// kernel: kernel.3.cloned.1.call-start
scs
__scs_entry_jumppad:
0x0: {  	(pc) =	sbr.rel $0x88, $3  }
0x1: {  	(tag) =	ssettag $0x0;
	lr =	simm.s32 $0x1  }
0x2: {  	[smem:$0x3F9F] =	sst lr;
	_ =	strace $0xD0000000  }
0x3: {  	_ = 	snop  }
0x4: {  	_ = 	snop  }
0x5: {  	_ = 	snop  }
0x6: {  	_ = 	snop  }
0x7: {  	_ = 	snop  }
__scs_overlays_trampoline_lowered:
0x8: {  	[smem:$0x3FAE] =	sst s0  }
0x9: {  	[smem:$0x3FAF] =	sst s1  }
0xa: {  	[smem:$0x3FB0] =	sst s2  }
0xb: {  	[smem:$0x3FB1] =	sst s3  }
0xc: {  	[smem:$0x3FB2] =	sst s4  }
0xd: {  	[smem:$0x3FB3] =	sst s5  }
0xe: {  	[smem:$0x3FB4] =	sst s6  }
0xf: {  	[smem:$0x3FB5] =	sst s7  }
0x10: {  	[smem:$0x3FB6] =	sst s8  }
0x11: {  	[smem:$0x3FB7] =	sst s9;
	s0 =	simm.s32 @!p0 $0x0  }
0x12: {  	s1 =	sld [smem:$0x3F9D];
	s0 =	simm.s32 @p0 $0x1  }
0x13: {  	[smem:$0x3FB8] =	sst s0;
	s0 =	simm.s32 @!p1 $0x0  }
0x14: {  	s2 =	sld [smem:$0x3F9C];
	s0 =	simm.s32 @p1 $0x1  }
0x15: {  	[smem:$0x3FB9] =	sst s0;
	s0 =	simm.s32 @!p2 $0x0  }
0x16: {  	s3 =	sld [smem:$0x3FDB];
	s0 =	simm.s32 @p2 $0x1  }
0x17: {  	s4 =	simm.s32 $0x1BF5;
	[smem:$0x3FBB] =	sst s0  }
0x18: {  	s0 =	sld [smem:$0x3F9E];
	_ =	swait.ge [sflag:s4], $0x0  }
0x19: {  	s7 =	sld [smem:$0x3F9F]  }
0x1a: {  	s8 =	sadd.s32 $0xFFFFE003, lr  }
0x1b: {  	s9 =	sadd.s32 $0xFFFFFEF7, lr;
	s5 =	simm.s32 $0xFFFFFFFF;
	p2 =	slt.u32 s8, $0xFFFFF086  }
0x1c: {  	p1 =	slt.u32 s9, $0xF7A;
	s5 =	simm.s32 @!p2 $0x0  }
0x1d: {  	s5 =	simm.s32 @p1 $0x1;
	p0 =	seq.s32 s7, s2  }
0x1e: {  	s7 =	smul.u32 @!p0 $0xF7A, s2;
	p2 =	seq.s32 @!p0 s5, $0x0  }
0x1f: {  	s9 =	smul.u32 $0xF7A, s1;
	s8 =	simm.s32 @!p0 $0x1BF5;
	p2 =	por !p2, p0  }
0x20: {  	[sflag:s8] =	ssyncset.s32 @!p0 $0xFFFFF086;
	s6 =	sadd.s32 @!p0 s3, s7;
	s7 =	simm.s32 @!p0 $0x108  }
0x21: {  	s3 =	sadd.s32 s3, s9;
	s6 =	sadd.s32 @!p0 $0x88, s6;
	s7 =	simm.s32 @p2 $0x1082  }
0x22: {  	[simem:s7], [sflag:s8] =	dma.local @!p0 [hbm:s6], $0xF7A  }
0x23: {  	s9 =	sor.u32 $0xD0000000, s2;
	s6 =	simm.s32 $0x108;
	_ =	swait.ge @!p0 [sflag:s8], $0x0  }
0x24: {  	s3 =	sadd.s32 $0x88, s3;
	s6 =	simm.s32 @!p1 $0x1082;
	[sflag:s4] =	ssyncset.s32 $0xFFFFF086  }
0x25: {  	[simem:s6], [sflag:s4] =	dma.local [hbm:s3], $0xF7A  }
0x26: {  	[smem:$0x3F9F] =	sst s1;
	(tag) =	ssettag s2;
	_ =	strace s9  }
0x27: {  	s1 =	sld [smem:$0x3FAF]  }
0x28: {  	s2 =	sld [smem:$0x3FB0]  }
0x29: {  	s4 =	sld [smem:$0x3FB2]  }
0x2a: {  	p0 =	seq.s32 s5, $0x0;
	s5 =	sld [smem:$0x3FB3]  }
0x2b: {  	s6 =	sld [smem:$0x3FB4]  }
0x2c: {  	s7 =	sld [smem:$0x3FB5]  }
0x2d: {  	s3 =	simm.s32 $0x108;
	s8 =	sld [smem:$0x3FB6]  }
0x2e: {  	s3 =	simm.s32 @!p0 $0x1082;
	s9 =	sld [smem:$0x3FB7]  }
0x2f: {  	lr =	sadd.s32 s0, s3;
	s0 =	sld [smem:$0x3FAE]  }
0x30: {  	s3 =	sld [smem:$0x3FB1]  }
0x31: {  	[smem:$0x3FBA] =	sst s10  }
0x32: {  	s10 =	sld [smem:$0x3FB8];
	_ =	sdelay $0x3  }
0x33: {  	p0 =	seq.s32 s10, $0x1;
	s10 =	sld [smem:$0x3FBA];
	_ =	sdelay $0x3  }
0x34: {  	[smem:$0x3FBA] =	sst s10  }
0x35: {  	s10 =	sld [smem:$0x3FB9];
	_ =	sdelay $0x3  }
0x36: {  	p1 =	seq.s32 s10, $0x1;
	s10 =	sld [smem:$0x3FBA];
	_ =	sdelay $0x3  }
0x37: {  	[smem:$0x3FBA] =	sst s10  }
0x38: {  	s10 =	sld [smem:$0x3FBB]  }
0x39: {  	_ = 	snop;
	(pc) =	sbr.ind lr, $3  }
0x3a: {  	_ = 	snop  }
0x3b: {  	_ = 	snop  }
0x3c: {  	p2 =	seq.s32 s10, $0x1;
	s10 =	sld [smem:$0x3FBA]  }
0x3d: {  	_ =	shalt  }
0x3e: {  	_ =	shalt  }
0x3f: {  	_ =	shalt  }
0x40: {  	_ =	shalt  }
0x41: {  	_ =	shalt  }
0x42: {  	_ =	shalt  }
0x43: {  	_ =	shalt  }
0x44: {  	_ =	shalt  }
0x45: {  	_ =	shalt  }
0x46: {  	_ =	shalt  }
0x47: {  	_ =	shalt  }
0x48: {  	_ =	shalt  }
0x49: {  	_ =	shalt  }
0x4a: {  	_ =	shalt  }
0x4b: {  	_ =	shalt  }
0x4c: {  	_ =	shalt  }
0x4d: {  	_ =	shalt  }
0x4e: {  	_ =	shalt  }
0x4f: {  	_ =	shalt  }
0x50: {  	_ =	shalt  }
0x51: {  	_ =	shalt  }
0x52: {  	_ =	shalt  }
0x53: {  	_ =	shalt  }
0x54: {  	_ =	shalt  }
0x55: {  	_ =	shalt  }
0x56: {  	_ =	shalt  }
0x57: {  	_ =	shalt  }
0x58: {  	_ =	shalt  }
0x59: {  	_ =	shalt  }
0x5a: {  	_ =	shalt  }
0x5b: {  	_ =	shalt  }
0x5c: {  	_ =	shalt  }
0x5d: {  	_ =	shalt  }
0x5e: {  	_ =	shalt  }
0x5f: {  	_ =	shalt  }
0x60: {  	_ =	shalt  }
0x61: {  	_ =	shalt  }
0x62: {  	_ =	shalt  }
0x63: {  	_ =	shalt  }
0x64: {  	_ =	shalt  }
0x65: {  	_ =	shalt  }
0x66: {  	_ =	shalt  }
0x67: {  	_ =	shalt  }
0x68: {  	_ =	shalt  }
0x69: {  	_ =	shalt  }
0x6a: {  	_ =	shalt  }
0x6b: {  	_ =	shalt  }
0x6c: {  	_ =	shalt  }
0x6d: {  	_ =	shalt  }
0x6e: {  	_ =	shalt  }
0x6f: {  	_ =	shalt  }
0x70: {  	_ =	shalt  }
0x71: {  	_ =	shalt  }
0x72: {  	_ =	shalt  }
0x73: {  	_ =	shalt  }
0x74: {  	_ =	shalt  }
0x75: {  	_ =	shalt  }
0x76: {  	_ =	shalt  }
0x77: {  	_ =	shalt  }
0x78: {  	_ =	shalt  }
0x79: {  	_ =	shalt  }
0x7a: {  	_ =	shalt  }
0x7b: {  	_ =	shalt  }
0x7c: {  	_ =	shalt  }
0x7d: {  	_ =	shalt  }
0x7e: {  	_ =	shalt  }
0x7f: {  	_ =	shalt  }
0x80: {  	_ =	shalt  }
0x81: {  	_ =	shalt  }
0x82: {  	_ =	shalt  }
0x83: {  	_ =	shalt  }
0x84: {  	_ =	shalt  }
0x85: {  	_ =	shalt  }
0x86: {  	_ =	shalt  }
0x87: {  	_ =	shalt  }
.Lfunc_end0:
.L_simem_size_0:
called_computation_lowered:
.L_overlay_start_0:
0x88: {  	s2 =	sld [smem:$0x3FD9]  }
0x89: {  	s3 =	sld [smem:$0x3FFE];
	_ =	sdelay $0x1  }
0x8a: {  	s1 =	srdreg.scid  }
0x8b: {  	s0 =	sand.u32 $0x1, s1  }
0x8c: {  	s17 =	sshll.u32 s0, $0xA;
	s2 =	sadd.s32 s3, s2  }
0x8d: {  	s2 =	sadd.s32 s2, s17  }
0x8e: {  	[smem:$0x3FC6] =	sst s2  }
0x8f: {  	_ = 	snop  }
0x90: {  	s2 =	sld [smem:$0x3FC9]  }
0x91: {  	s18 =	sld [smem:$0x3FD0];
	(tm) =	ssettm $0x1  }
0x92: {  	s4 =	sld [smem:$0x3FFB];
	_ =	sdelay $0x3  }
0x93: {  	_ =	strace s4  }
0x94: {  	s4 =	sld [smem:$0x3FFC];
	_ =	sdelay $0x3  }
0x95: {  	_ =	strace s4  }
0x96: {  	s4 =	sld [smem:$0x3FFD];
	_ =	sdelay $0x3  }
0x97: {  	_ =	strace s4  }
0x98: {  	_ =	strace $0x8FFFFFFF  }
0x99: {  	s19 =	sld [smem:$0x3FDB];
	_ =	sdelay $0x1  }
0x9a: {  	s5 =	simm.s32 $_scs_section_size  }
0x9b: {  	s6 =	simm.s32 $_size__tile_overlayer_lowered;
	s7 =	simm.s32 $_tile_overlayer_lowered  }
0x9c: {  	s22 =	simm.s32 $0x1BFF;
	s21 =	sshll.u32 s7, $0x1;
	s4 =	sadd.s32 s5, s19  }
0x9d: {  	s8 =	simm.s32 $0x0;
	s20 =	sshll.u32 s6, $0x1;
	s6 =	sadd.s32 s21, s4  }
0x9e: {  	[timem:s8], [sflag:s22] =	dma.local [hbm:s6], s20  }
0x9f: {  	_ =	swait.ge [sflag:s22], s20  }
0xa0: {  	s5 =	ssub.s32 $0x0, s20;
	[sflag:s22] =	ssyncset.done $0x0  }
0xa1: {  	[sflag:s22] =	ssyncadd.s32 s5;
	_ =	sdelay $0x1  }
0xa2: {  	s23 =	simm.s32 $0x1B8B  }
0xa3: {  	_ =	swait.ge [sflag:s23], $0x1  }
0xa4: {  	[sflag:s23] =	ssyncset.done $0x0  }
0xa5: {  	s25 =	simm.s32 $0x1B8E;
	s24 =	sld [smem:$0x3FFE];
	[sflag:s23] =	ssyncadd.s32 $0xFFFFFFFF  }
0xa6: {  	s26 =	simm.s32 $execute0_lowered;
	[smem:$0x3FD2] =	sst s25  }
0xa7: {  	s6 =	sshll.u32 s26, $0x1;
	_ =	strace $0x80000046;
	[dreg:$0x1] =	wrdreg $0xFFFFFFFF  }
0xa8: {  	s28 =	simm.s32 $_size_execute0_lowered;
	s4 =	sadd.s32 s4, s6;
	[dreg:$0x0] =	wrdreg $0x0  }
0xa9: {  	s6 =	sshll.u32 s28, $0x1;
	[dreg:$0x2] =	wrdreg s4  }
0xaa: {  	[dreg:$0x3] =	wrdreg s6  }
0xab: {  	[dreg:$0x4] =	wrdreg $0xC0  }
0xac: {  	_ =	task [dreg:s8], $0x5FFFF  }
0xad: {  	[dreg:$0x1] =	wrdreg $0xFFFFFFFF  }
0xae: {  	[dreg:$0x0] =	wrdreg $0x60  }
0xaf: {  	[dreg:$0x2] =	wrdreg s2  }
0xb0: {  	[dreg:$0x3] =	wrdreg s24  }
0xb1: {  	[dreg:$0x4] =	wrdreg s18  }
0xb2: {  	[dreg:$0x5] =	wrdreg $0x9  }
0xb3: {  	_ =	task.clear_ibuf [dreg:s8], $0x6FFFF;
	_ =	strace $0x90000046  }
0xb4: {  	s29 =	simm.s32 $0x9;
	_ =	strace $0x80000048  }
0xb5: {  	_ =	swait.ge [sflag:s29], $0x1  }
0xb6: {  	[sflag:s29] =	ssyncadd.s32 $0xFFFFFFFF  }
0xb7: {  	_ =	strace $0x90000048  }
0xb8: {  	_ =	sfence  }
0xb9: {  	s30 =	sld [smem:$0x0];
	_ =	sdelay $0x2  }
0xba: {  	s31 =	sshll.u32 s1, $0xD;
	s1 =	sshrl.u32 s1, $0x2  }
0xbb: {  	s3 =	sand.u32 $0x4000, s31;
	s1 =	sadd.s32 s1, s30  }
0xbc: {  	s0 =	sor.u32 s3, s0;
	s1 =	sshll.u32 s1, $0x11  }
0xbd: {  	s0 =	sor.u32 s1, s0  }
0xbe: {  	s0 =	sadd.s32 $0x8F2B, s0  }
0xbf: {  	[sflag:s0] =	ssyncadd.remote.s32 $0x1  }
0xc0: {  	_ =	sfence.sel $0xFFFF  }
0xc1: {  	[dreg:$0x0] =	wrdreg $0xFFFFFFFF;
	(pc) =	sbr.abs _section_cstart, $3  }
0xc2: {  	[dreg:$0x1] =	wrdreg $0xFFFFFFFF  }
0xc3: {  	_ =	task.clear_ibuf [dreg:s8], $0x2FFFF;
	_ =	strace $0x9FFFFFFF  }
0xc4: {  	(tm) =	ssettm $0x7FFFFFFF  }
0xc5: {  	_ =	shalt  }
tec
execute0_lowered:
.L_overlay_start_1:
0x0: {  	(tag) =	ssettag $0x1  }
0x1: {  	s1 =	rddreg [dreg:$0x0];
	s0 =	srdreg.scid  }
0x2: {  	s2 =	rddreg [dreg:$0x1];
	s3 =	stileid.u32  }
0x3: {  	s4 =	rddreg [dreg:$0x2];
	s28 =	simm.s32 $0xC900;
	s30 =	simm.s32 $0x10900  }
0x4: {  	s31 =	simm.s32 $0x3;
	s29 =	simm.s32 $0x4;
	s7 =	simm.s32 $0xB  }
0x5: {  	s8 =	simm.s32 $0x6;
	s9 =	simm.s32 $0xC;
	s10 =	simm.s32 $0x0  }
0x6: {  	s0 =	sand.u32 $0x1, s0;
	s5 =	sshll.u32 s3, $0x9;
	s3 =	simm.s32 $0x0  }
0x7: {  	s20 =	sadd.s32 $0x800, s4;
	s6 =	sshll.u32 s0, $0x8;
	s0 =	ssub.s32 $0x2, s0  }
0x8: {  	[smem:$0x7FF] =	sst s3;
	s5 =	sor.u32 s6, s5;
	s18 =	sshrl.u32 s0, $0x1  }
0x9: {  	_ =	strace $0x80000047;
	s6 =	sshrl.u32 s5, $0x3;
	s0 =	ssub.s32 s0, s18  }
0xa: {  	s19 =	sshll.u32 s5, $0x4;
	s18 =	simm.s32 $0xD;
	s5 =	simm.s32 $0x5  }
0xb: {  	s2 =	sadd.s32 s6, s2;
	s0 =	smax.u32 s0, $0x1;
	s6 =	sadd.s32 s4, s19  }
0xc: {  	s21 =	sadd.s32 s19, s20;
	s26 =	sor.u32 $0x60000, s19;
	[dreg:$0x5] =	wrdreg s0  }
0xd: {  	s19 =	simm.s32 $0x80;
	s2 =	sadd.s32 $0x400, s2;
	[dreg:$0x6] =	wrdreg s21  }
0xe: {  	s22 =	sadd.s32 $0x20000, s6;
	s23 =	sadd.s32 $0x20800, s6;
	[dreg:$0x4] =	wrdreg s2  }
0xf: {  	s24 =	sadd.s32 $0x40000, s6;
	s25 =	sadd.s32 $0x40800, s6;
	[dreg:$0x7] =	wrdreg s22  }
0x10: {  	s0 =	sadd.s32 s26, s20;
	s14 =	sadd.s32 $0x80000, s6;
	[dreg:$0x8] =	wrdreg s23  }
0x11: {  	s15 =	sadd.s32 $0x80800, s6;
	s16 =	sadd.s32 $0xA0000, s6;
	[dreg:$0x9] =	wrdreg s24  }
0x12: {  	s17 =	sadd.s32 $0xA0800, s6;
	s21 =	simm.s32 $0x900;
	[dreg:$0xa] =	wrdreg s25  }
0x13: {  	s20 =	simm.s32 $0x7;
	s2 =	sadd.s32 s4, s26;
	[dreg:$0xc] =	wrdreg s0  }
0x14: {  	s23 =	simm.s32 $0x4900;
	s25 =	simm.s32 $0x8900;
	s0 =	simm.s32 $0x1  }
0x15: {  	s24 =	simm.s32 $0x2;
	s26 =	simm.s32 $0x8;
	s22 =	simm.s32 $0x9  }
0x16: {  	s4 =	simm.s32 $0xA;
	[dreg:$0xb] =	wrdreg s2;
	s2 =	simm.s32 $0x14900  }
.LBB2_1:
0x17: {  	s11 =	rddreg [dreg:$0x4]  }
0x18: {  	[tilespmem:s3], [sflag:$0xD] =	stream.linear.gather [hbm4b:s11+s3], $0x100, $0x38;
	[tilespmem:$0x18900] =	vst v63  }
0x19: {  	_ =	swait.ge [sflag:s18], $0x100  }
0x1a: {  	[sflag:s18] =	ssyncset.done $0x0  }
0x1b: {  	[sflag:s18] =	ssyncadd.s32 $0xFFFFFF00  }
0x1c: {  	v0 =	vld [tilespmem:$0x0]  }
0x1d: {  	v1 =	vld [tilespmem:$0x10]  }
0x1e: {  	v2 =	vld [tilespmem:$0x20]  }
0x1f: {  	v3 =	vld [tilespmem:$0x30]  }
0x20: {  	v4 =	vld [tilespmem:$0x40]  }
0x21: {  	[tilespmem:$0x100] =	vst v0;
	v0 =	vld [tilespmem:$0x50]  }
0x22: {  	v51 =	vld [tilespmem:$0x90];
	[tilespmem:$0x110] =	vst v1  }
0x23: {  	v1 =	vld [tilespmem:$0x60];
	[tilespmem:$0x120] =	vst v2  }
0x24: {  	v2 =	vld [tilespmem:$0x70];
	[tilespmem:$0x130] =	vst v3  }
0x25: {  	v3 =	vld [tilespmem:$0x80];
	[tilespmem:$0x140] =	vst v4  }
0x26: {  	[tilespmem:$0x150] =	vst v0;
	v0 =	vld [tilespmem:$0xA0]  }
0x27: {  	v52 =	vld [tilespmem:$0xE0];
	[tilespmem:$0x190] =	vst v51  }
0x28: {  	[tilespmem:$0x160] =	vst v1;
	v1 =	vld [tilespmem:$0xB0]  }
0x29: {  	[tilespmem:$0x170] =	vst v2;
	v2 =	vld [tilespmem:$0xC0]  }
0x2a: {  	[tilespmem:$0x180] =	vst v3;
	v3 =	vld [tilespmem:$0xD0]  }
0x2b: {  	[tilespmem:$0x1A0] =	vst v0;
	v0 =	vld [tilespmem:$0xF0]  }
0x2c: {  	[tilespmem:$0x1E0] =	vst v52  }
0x2d: {  	[tilespmem:$0x1B0] =	vst v1  }
0x2e: {  	[tilespmem:$0x1C0] =	vst v2  }
0x2f: {  	[tilespmem:$0x1D0] =	vst v3  }
0x30: {  	s12 =	simm.s32 $0x100;
	[tilespmem:$0x1F0] =	vst v0  }
0x31: {  	[tilespmem:s21], [sflag:$0x1] =	stream.indirect.gather [hbm4b:s1+s19], $0x80, s12, s19, $0xb8;
	[tilespmem:$0x18900] =	vst v63  }
0x32: {  	s13 =	simm.s32 $0x180  }
0x33: {  	[tilespmem:s23], [sflag:$0x2] =	stream.indirect.gather [hbm4b:s1+s19], $0x80, s13, s19, $0xb8;
	[tilespmem:$0x18900] =	vst v63  }
0x34: {  	v0 =	vld [tilespmem:$0x0]  }
0x35: {  	v1 =	vld [tilespmem:$0x10]  }
0x36: {  	v2 =	vld [tilespmem:$0x20]  }
0x37: {  	v3 =	vld [tilespmem:$0x30]  }
0x38: {  	v53 =	vld [tilespmem:$0x40]  }
0x39: {  	v5 =	vld [tilespmem:$0x50];
	v0 =	vadd.s32 $0x186A0, v0  }
0x3a: {  	[tilespmem:$0x200] =	vst v0;
	v0 =	vadd.s32 $0x186A0, v1;
	v1 =	vld [tilespmem:$0x60]  }
0x3b: {  	[tilespmem:$0x210] =	vst v0;
	v0 =	vadd.s32 $0x186A0, v2;
	v2 =	vld [tilespmem:$0x70]  }
0x3c: {  	[tilespmem:$0x220] =	vst v0;
	v0 =	vadd.s32 $0x186A0, v3;
	v3 =	vld [tilespmem:$0x80]  }
0x3d: {  	v54 =	vld [tilespmem:$0x90];
	[tilespmem:$0x230] =	vst v0;
	v0 =	vadd.s32 $0x186A0, v53  }
0x3e: {  	v55 =	vld [tilespmem:$0xA0];
	[tilespmem:$0x240] =	vst v0;
	v0 =	vadd.s32 $0x186A0, v5  }
0x3f: {  	[tilespmem:$0x250] =	vst v0;
	v0 =	vadd.s32 $0x186A0, v1;
	v1 =	vld [tilespmem:$0xB0]  }
0x40: {  	[tilespmem:$0x260] =	vst v0;
	v0 =	vadd.s32 $0x186A0, v2;
	v2 =	vld [tilespmem:$0xC0]  }
0x41: {  	[tilespmem:$0x270] =	vst v0;
	v0 =	vadd.s32 $0x186A0, v3;
	v3 =	vld [tilespmem:$0xD0]  }
0x42: {  	v56 =	vld [tilespmem:$0xE0];
	[tilespmem:$0x280] =	vst v0;
	v0 =	vadd.s32 $0x186A0, v54  }
0x43: {  	v57 =	vld [tilespmem:$0xF0];
	[tilespmem:$0x290] =	vst v0;
	v0 =	vadd.s32 $0x186A0, v55  }
0x44: {  	[tilespmem:$0x2A0] =	vst v0;
	v0 =	vadd.s32 $0x186A0, v1  }
0x45: {  	[tilespmem:$0x2B0] =	vst v0;
	v0 =	vadd.s32 $0x186A0, v2  }
0x46: {  	[tilespmem:$0x2C0] =	vst v0;
	v0 =	vadd.s32 $0x186A0, v3  }
0x47: {  	[tilespmem:$0x2D0] =	vst v0;
	v0 =	vadd.s32 $0x186A0, v56  }
0x48: {  	[tilespmem:$0x2E0] =	vst v0;
	v0 =	vadd.s32 $0x186A0, v57  }
0x49: {  	s12 =	simm.s32 $0x200;
	[tilespmem:$0x2F0] =	vst v0  }
0x4a: {  	[tilespmem:s25], [sflag:$0x3] =	stream.indirect.gather [hbm4b:s1+s19], $0x80, s12, s19, $0xb8;
	[tilespmem:$0x18900] =	vst v63  }
0x4b: {  	s13 =	simm.s32 $0x280  }
0x4c: {  	[tilespmem:s28], [sflag:$0x4] =	stream.indirect.gather [hbm4b:s1+s19], $0x80, s13, s19, $0xb8;
	[tilespmem:$0x18900] =	vst v63  }
0x4d: {  	v0 =	vld [tilespmem:$0x0]  }
0x4e: {  	v1 =	vld [tilespmem:$0x10]  }
0x4f: {  	v2 =	vld [tilespmem:$0x20]  }
0x50: {  	v3 =	vld [tilespmem:$0x30]  }
0x51: {  	v58 =	vld [tilespmem:$0x40]  }
0x52: {  	v59 =	vld [tilespmem:$0x50];
	v0 =	vadd.s32 $0x30D40, v0  }
0x53: {  	[tilespmem:$0x300] =	vst v0;
	v0 =	vadd.s32 $0x30D40, v1;
	v1 =	vld [tilespmem:$0x60]  }
0x54: {  	[tilespmem:$0x310] =	vst v0;
	v0 =	vadd.s32 $0x30D40, v2;
	v2 =	vld [tilespmem:$0x70]  }
0x55: {  	[tilespmem:$0x320] =	vst v0;
	v0 =	vadd.s32 $0x30D40, v3;
	v3 =	vld [tilespmem:$0x80]  }
0x56: {  	v60 =	vld [tilespmem:$0x90];
	[tilespmem:$0x330] =	vst v0;
	v0 =	vadd.s32 $0x30D40, v58  }
0x57: {  	v61 =	vld [tilespmem:$0xA0];
	[tilespmem:$0x340] =	vst v0;
	v0 =	vadd.s32 $0x30D40, v59  }
0x58: {  	[tilespmem:$0x350] =	vst v0;
	v0 =	vadd.s32 $0x30D40, v1;
	v1 =	vld [tilespmem:$0xB0]  }
0x59: {  	[tilespmem:$0x360] =	vst v0;
	v0 =	vadd.s32 $0x30D40, v2;
	v2 =	vld [tilespmem:$0xC0]  }
0x5a: {  	[tilespmem:$0x370] =	vst v0;
	v0 =	vadd.s32 $0x30D40, v3;
	v3 =	vld [tilespmem:$0xD0]  }
0x5b: {  	v62 =	vld [tilespmem:$0xE0];
	[tilespmem:$0x380] =	vst v0;
	v0 =	vadd.s32 $0x30D40, v60  }
0x5c: {  	v63 =	vld [tilespmem:$0xF0];
	[tilespmem:$0x390] =	vst v0;
	v0 =	vadd.s32 $0x30D40, v61  }
0x5d: {  	[tilespmem:$0x3A0] =	vst v0;
	v0 =	vadd.s32 $0x30D40, v1  }
0x5e: {  	[tilespmem:$0x3B0] =	vst v0;
	v0 =	vadd.s32 $0x30D40, v2  }
0x5f: {  	[tilespmem:$0x3C0] =	vst v0;
	v0 =	vadd.s32 $0x30D40, v3  }
0x60: {  	[tilespmem:$0x3D0] =	vst v0;
	v0 =	vadd.s32 $0x30D40, v62  }
0x61: {  	[tilespmem:$0x3E0] =	vst v0;
	v0 =	vadd.s32 $0x30D40, v63  }
0x62: {  	s12 =	simm.s32 $0x300;
	[tilespmem:$0x3F0] =	vst v0  }
0x63: {  	[tilespmem:s30], [sflag:$0x5] =	stream.indirect.gather [hbm4b:s1+s19], $0x80, s12, s19, $0xb8;
	[tilespmem:$0x18900] =	vst v63  }
0x64: {  	s13 =	simm.s32 $0x380  }
0x65: {  	[tilespmem:s2], [sflag:$0x6] =	stream.indirect.gather [hbm4b:s1+s19], $0x80, s13, s19, $0xb8;
	[tilespmem:$0x18900] =	vst v63  }
0x66: {  	v0 =	vld [tilespmem:$0x0];
	_ =	sdelay $0x3  }
0x67: {  	s13 =	simm.s32 $0x493E0  }
0x68: {  	s11 =	simm.s32 $0x4F0;
	v0 =	vadd.s32 s13, v0  }
0x69: {  	[tilespmem:s11+$0xFFFFFF10] =	vst v0  }
0x6a: {  	v0 =	vld [tilespmem:$0x10];
	_ =	sdelay $0x4  }
0x6b: {  	v0 =	vadd.s32 s13, v0  }
0x6c: {  	[tilespmem:s11+$0xFFFFFF20] =	vst v0  }
0x6d: {  	v0 =	vld [tilespmem:$0x20];
	_ =	sdelay $0x4  }
0x6e: {  	v0 =	vadd.s32 s13, v0  }
0x6f: {  	[tilespmem:s11+$0xFFFFFF30] =	vst v0  }
0x70: {  	v0 =	vld [tilespmem:$0x30];
	_ =	sdelay $0x4  }
0x71: {  	v0 =	vadd.s32 s13, v0  }
0x72: {  	[tilespmem:s11+$0xFFFFFF40] =	vst v0  }
0x73: {  	v0 =	vld [tilespmem:$0x40];
	_ =	sdelay $0x4  }
0x74: {  	v0 =	vadd.s32 s13, v0  }
0x75: {  	[tilespmem:s11+$0xFFFFFF50] =	vst v0  }
0x76: {  	v0 =	vld [tilespmem:$0x50];
	_ =	sdelay $0x4  }
0x77: {  	v0 =	vadd.s32 s13, v0  }
0x78: {  	[tilespmem:s11+$0xFFFFFF60] =	vst v0  }
0x79: {  	v0 =	vld [tilespmem:$0x60];
	_ =	sdelay $0x4  }
0x7a: {  	v0 =	vadd.s32 s13, v0  }
0x7b: {  	[tilespmem:s11+$0xFFFFFF70] =	vst v0  }
0x7c: {  	v0 =	vld [tilespmem:$0x70];
	_ =	sdelay $0x4  }
0x7d: {  	v0 =	vadd.s32 s13, v0  }
0x7e: {  	[tilespmem:s11+$0xFFFFFF80] =	vst v0  }
0x7f: {  	v0 =	vld [tilespmem:$0x80];
	_ =	sdelay $0x4  }
0x80: {  	v0 =	vadd.s32 s13, v0  }
0x81: {  	[tilespmem:s11+$0xFFFFFF90] =	vst v0  }
0x82: {  	v0 =	vld [tilespmem:$0x90];
	_ =	sdelay $0x4  }
0x83: {  	v0 =	vadd.s32 s13, v0  }
0x84: {  	[tilespmem:s11+$0xFFFFFFA0] =	vst v0  }
0x85: {  	v0 =	vld [tilespmem:$0xA0];
	_ =	sdelay $0x4  }
0x86: {  	v0 =	vadd.s32 s13, v0  }
0x87: {  	[tilespmem:s11+$0xFFFFFFB0] =	vst v0  }
0x88: {  	v0 =	vld [tilespmem:$0xB0];
	_ =	sdelay $0x4  }
0x89: {  	v0 =	vadd.s32 s13, v0  }
0x8a: {  	[tilespmem:s11+$0xFFFFFFC0] =	vst v0  }
0x8b: {  	v0 =	vld [tilespmem:$0xC0];
	_ =	sdelay $0x4  }
0x8c: {  	v0 =	vadd.s32 s13, v0  }
0x8d: {  	[tilespmem:s11+$0xFFFFFFD0] =	vst v0  }
0x8e: {  	v0 =	vld [tilespmem:$0xD0];
	_ =	sdelay $0x4  }
0x8f: {  	v0 =	vadd.s32 s13, v0  }
0x90: {  	[tilespmem:s11+$0xFFFFFFE0] =	vst v0  }
0x91: {  	v0 =	vld [tilespmem:$0xE0];
	_ =	sdelay $0x4  }
0x92: {  	v0 =	vadd.s32 s13, v0  }
0x93: {  	[tilespmem:s11+$0xFFFFFFF0] =	vst v0  }
0x94: {  	v0 =	vld [tilespmem:$0xF0];
	_ =	sdelay $0x4  }
0x95: {  	s12 =	simm.s32 $0x61A80;
	v0 =	vadd.s32 s13, v0  }
.LBB2_2:
0x96: {  	p0 =	sne.s32 s12, $0x7A120  }
0x97: {  	[tilespmem:s11+$0x0] =	vst v0;
	s11 =	sadd.s32 $0x100, s11;
	s13 =	smov.u32 s12;
	s12 =	sadd.s32 $0x186A0, s12  }
0x98: {  	v0 =	vld [tilespmem:$0x0];
	_ =	sdelay $0x4  }
0x99: {  	v0 =	vadd.s32 s13, v0  }
0x9a: {  	[tilespmem:s11+$0xFFFFFF10] =	vst v0  }
0x9b: {  	v0 =	vld [tilespmem:$0x10];
	_ =	sdelay $0x4  }
0x9c: {  	v0 =	vadd.s32 s13, v0  }
0x9d: {  	[tilespmem:s11+$0xFFFFFF20] =	vst v0  }
0x9e: {  	v0 =	vld [tilespmem:$0x20];
	_ =	sdelay $0x4  }
0x9f: {  	v0 =	vadd.s32 s13, v0  }
0xa0: {  	[tilespmem:s11+$0xFFFFFF30] =	vst v0  }
0xa1: {  	v0 =	vld [tilespmem:$0x30];
	_ =	sdelay $0x4  }
0xa2: {  	v0 =	vadd.s32 s13, v0  }
0xa3: {  	[tilespmem:s11+$0xFFFFFF40] =	vst v0  }
0xa4: {  	v0 =	vld [tilespmem:$0x40];
	_ =	sdelay $0x4  }
0xa5: {  	v0 =	vadd.s32 s13, v0  }
0xa6: {  	[tilespmem:s11+$0xFFFFFF50] =	vst v0  }
0xa7: {  	v0 =	vld [tilespmem:$0x50];
	_ =	sdelay $0x4  }
0xa8: {  	v0 =	vadd.s32 s13, v0  }
0xa9: {  	[tilespmem:s11+$0xFFFFFF60] =	vst v0  }
0xaa: {  	v0 =	vld [tilespmem:$0x60];
	_ =	sdelay $0x4  }
0xab: {  	v0 =	vadd.s32 s13, v0  }
0xac: {  	[tilespmem:s11+$0xFFFFFF70] =	vst v0  }
0xad: {  	v0 =	vld [tilespmem:$0x70];
	_ =	sdelay $0x4  }
0xae: {  	v0 =	vadd.s32 s13, v0  }
0xaf: {  	[tilespmem:s11+$0xFFFFFF80] =	vst v0  }
0xb0: {  	v0 =	vld [tilespmem:$0x80];
	_ =	sdelay $0x4  }
0xb1: {  	v0 =	vadd.s32 s13, v0  }
0xb2: {  	[tilespmem:s11+$0xFFFFFF90] =	vst v0  }
0xb3: {  	v0 =	vld [tilespmem:$0x90];
	_ =	sdelay $0x4  }
0xb4: {  	v0 =	vadd.s32 s13, v0  }
0xb5: {  	[tilespmem:s11+$0xFFFFFFA0] =	vst v0  }
0xb6: {  	v0 =	vld [tilespmem:$0xA0];
	_ =	sdelay $0x4  }
0xb7: {  	v0 =	vadd.s32 s13, v0  }
0xb8: {  	[tilespmem:s11+$0xFFFFFFB0] =	vst v0  }
0xb9: {  	v0 =	vld [tilespmem:$0xB0];
	_ =	sdelay $0x4  }
0xba: {  	v0 =	vadd.s32 s13, v0  }
0xbb: {  	[tilespmem:s11+$0xFFFFFFC0] =	vst v0  }
0xbc: {  	v0 =	vld [tilespmem:$0xC0];
	_ =	sdelay $0x4  }
0xbd: {  	v0 =	vadd.s32 s13, v0  }
0xbe: {  	[tilespmem:s11+$0xFFFFFFD0] =	vst v0  }
0xbf: {  	v0 =	vld [tilespmem:$0xD0];
	_ =	sdelay $0x4  }
0xc0: {  	v0 =	vadd.s32 s13, v0  }
0xc1: {  	[tilespmem:s11+$0xFFFFFFE0] =	vst v0  }
0xc2: {  	v0 =	vld [tilespmem:$0xE0];
	_ =	sdelay $0x4  }
0xc3: {  	v0 =	vadd.s32 s13, v0  }
0xc4: {  	[tilespmem:s11+$0xFFFFFFF0] =	vst v0  }
0xc5: {  	v0 =	vld [tilespmem:$0xF0]  }
.Ltmp0:
0xc6: {  	(pc) =	sbr.rel @p0 .LBB2_2-.Ltmp0, $2  }
0xc7: {  	_ =	sdelay $0x2  }
0xc8: {  	v0 =	vadd.s32 s13, v0  }
0xc9: {  	[tilespmem:s11+$0x0] =	vst v0  }
0xca: {  	_ =	swait.ge [sflag:s0], $0x4000  }
0xcb: {  	[sflag:s0] =	ssyncset.done $0x0  }
0xcc: {  	[sflag:s0] =	ssyncadd.s32 $0xFFFFC000  }
0xcd: {  	[hbm4b:s6+s3] =	stream.linear.scatter [tilespmem:s21], [sflag:$0x7], $0x4000, $0x38;
	[tilespmem:$0x18900] =	vst v63  }
0xce: {  	_ =	swait.ge [sflag:s20], $0x4000  }
0xcf: {  	[sflag:s20] =	ssyncset.done $0x0  }
0xd0: {  	s12 =	simm.s32 $0x400;
	[sflag:s20] =	ssyncadd.s32 $0xFFFFC000  }
0xd1: {  	[tilespmem:s21], [sflag:$0x1] =	stream.indirect.gather [hbm4b:s1+s19], $0x80, s12, s19, $0xb8;
	[tilespmem:$0x18900] =	vst v63  }
0xd2: {  	_ =	swait.ge [sflag:s24], $0x4000  }
0xd3: {  	[sflag:s24] =	ssyncset.done $0x0  }
0xd4: {  	s13 =	rddreg [dreg:$0x6];
	[sflag:s24] =	ssyncadd.s32 $0xFFFFC000  }
0xd5: {  	[hbm4b:s13+s3] =	stream.linear.scatter [tilespmem:s23], [sflag:$0x8], $0x4000, $0x38;
	[tilespmem:$0x18900] =	vst v63  }
0xd6: {  	_ =	swait.ge [sflag:s26], $0x4000  }
0xd7: {  	[sflag:s26] =	ssyncset.done $0x0  }
0xd8: {  	s12 =	simm.s32 $0x480;
	[sflag:s26] =	ssyncadd.s32 $0xFFFFC000  }
0xd9: {  	[tilespmem:s23], [sflag:$0x2] =	stream.indirect.gather [hbm4b:s1+s19], $0x80, s12, s19, $0xb8;
	[tilespmem:$0x18900] =	vst v63  }
0xda: {  	_ =	swait.ge [sflag:s31], $0x4000  }
0xdb: {  	[sflag:s31] =	ssyncset.done $0x0  }
0xdc: {  	s13 =	rddreg [dreg:$0x7];
	[sflag:s31] =	ssyncadd.s32 $0xFFFFC000  }
0xdd: {  	[hbm4b:s13+s3] =	stream.linear.scatter [tilespmem:s25], [sflag:$0x9], $0x4000, $0x38;
	[tilespmem:$0x18900] =	vst v63  }
0xde: {  	_ =	swait.ge [sflag:s22], $0x4000  }
0xdf: {  	[sflag:s22] =	ssyncset.done $0x0  }
0xe0: {  	s12 =	simm.s32 $0x500;
	[sflag:s22] =	ssyncadd.s32 $0xFFFFC000  }
0xe1: {  	[tilespmem:s25], [sflag:$0x3] =	stream.indirect.gather [hbm4b:s1+s19], $0x80, s12, s19, $0xb8;
	[tilespmem:$0x18900] =	vst v63  }
0xe2: {  	_ =	swait.ge [sflag:s29], $0x4000  }
0xe3: {  	[sflag:s29] =	ssyncset.done $0x0  }
0xe4: {  	s13 =	rddreg [dreg:$0x8];
	[sflag:s29] =	ssyncadd.s32 $0xFFFFC000  }
0xe5: {  	[hbm4b:s13+s3] =	stream.linear.scatter [tilespmem:s28], [sflag:$0xA], $0x4000, $0x38;
	[tilespmem:$0x18900] =	vst v63  }
0xe6: {  	_ =	swait.ge [sflag:s4], $0x4000  }
0xe7: {  	[sflag:s4] =	ssyncset.done $0x0  }
0xe8: {  	s12 =	simm.s32 $0x580;
	[sflag:s4] =	ssyncadd.s32 $0xFFFFC000  }
0xe9: {  	[tilespmem:s28], [sflag:$0x4] =	stream.indirect.gather [hbm4b:s1+s19], $0x80, s12, s19, $0xb8;
	[tilespmem:$0x18900] =	vst v63  }
0xea: {  	_ =	swait.ge [sflag:s5], $0x4000  }
0xeb: {  	[sflag:s5] =	ssyncset.done $0x0  }
0xec: {  	s13 =	rddreg [dreg:$0x9];
	[sflag:s5] =	ssyncadd.s32 $0xFFFFC000  }
0xed: {  	[hbm4b:s13+s3] =	stream.linear.scatter [tilespmem:s30], [sflag:$0xB], $0x4000, $0x38;
	[tilespmem:$0x18900] =	vst v63  }
0xee: {  	_ =	swait.ge [sflag:s7], $0x4000  }
0xef: {  	[sflag:s7] =	ssyncset.done $0x0  }
0xf0: {  	s12 =	simm.s32 $0x600;
	[sflag:s7] =	ssyncadd.s32 $0xFFFFC000  }
0xf1: {  	[tilespmem:s30], [sflag:$0x5] =	stream.indirect.gather [hbm4b:s1+s19], $0x80, s12, s19, $0xb8;
	[tilespmem:$0x18900] =	vst v63  }
0xf2: {  	_ =	swait.ge [sflag:s8], $0x4000  }
0xf3: {  	[sflag:s8] =	ssyncset.done $0x0  }
0xf4: {  	s13 =	rddreg [dreg:$0xa];
	[sflag:s8] =	ssyncadd.s32 $0xFFFFC000  }
0xf5: {  	[hbm4b:s13+s3] =	stream.linear.scatter [tilespmem:s2], [sflag:$0xC], $0x4000, $0x38;
	[tilespmem:$0x18900] =	vst v63  }
0xf6: {  	_ =	swait.ge [sflag:s9], $0x4000  }
0xf7: {  	[sflag:s9] =	ssyncset.done $0x0  }
0xf8: {  	s12 =	simm.s32 $0x680;
	[sflag:s9] =	ssyncadd.s32 $0xFFFFC000  }
0xf9: {  	[tilespmem:s2], [sflag:$0x6] =	stream.indirect.gather [hbm4b:s1+s19], $0x80, s12, s19, $0xb8;
	[tilespmem:$0x18900] =	vst v63  }
0xfa: {  	_ =	swait.ge [sflag:s0], $0x4000  }
0xfb: {  	[sflag:s0] =	ssyncset.done $0x0  }
0xfc: {  	s13 =	rddreg [dreg:$0xb];
	[sflag:s0] =	ssyncadd.s32 $0xFFFFC000  }
0xfd: {  	[hbm4b:s13+s3] =	stream.linear.scatter [tilespmem:s21], [sflag:$0x7], $0x4000, $0x38;
	[tilespmem:$0x18900] =	vst v63  }
0xfe: {  	_ =	swait.ge [sflag:s24], $0x4000  }
0xff: {  	[sflag:s24] =	ssyncset.done $0x0  }
0x100: {  	s12 =	rddreg [dreg:$0xc];
	[sflag:s24] =	ssyncadd.s32 $0xFFFFC000  }
0x101: {  	[hbm4b:s12+s3] =	stream.linear.scatter [tilespmem:s23], [sflag:$0x8], $0x4000, $0x38;
	[tilespmem:$0x18900] =	vst v63  }
0x102: {  	_ =	swait.ge [sflag:s31], $0x4000  }
0x103: {  	[sflag:s31] =	ssyncset.done $0x0  }
0x104: {  	[sflag:s31] =	ssyncadd.s32 $0xFFFFC000  }
0x105: {  	[hbm4b:s14+s3] =	stream.linear.scatter [tilespmem:s25], [sflag:$0x9], $0x4000, $0x38;
	[tilespmem:$0x18900] =	vst v63  }
0x106: {  	_ =	swait.ge [sflag:s29], $0x4000  }
0x107: {  	[sflag:s29] =	ssyncset.done $0x0  }
0x108: {  	[sflag:s29] =	ssyncadd.s32 $0xFFFFC000  }
0x109: {  	[hbm4b:s15+s3] =	stream.linear.scatter [tilespmem:s28], [sflag:$0xA], $0x4000, $0x38;
	[tilespmem:$0x18900] =	vst v63  }
0x10a: {  	_ =	swait.ge [sflag:s5], $0x4000  }
0x10b: {  	[sflag:s5] =	ssyncset.done $0x0  }
0x10c: {  	[sflag:s5] =	ssyncadd.s32 $0xFFFFC000  }
0x10d: {  	[hbm4b:s16+s3] =	stream.linear.scatter [tilespmem:s30], [sflag:$0xB], $0x4000, $0x38;
	[tilespmem:$0x18900] =	vst v63  }
0x10e: {  	_ =	swait.ge [sflag:s8], $0x4000  }
0x10f: {  	[sflag:s8] =	ssyncset.done $0x0  }
0x110: {  	[sflag:s8] =	ssyncadd.s32 $0xFFFFC000  }
0x111: {  	[hbm4b:s17+s3] =	stream.linear.scatter [tilespmem:s2], [sflag:$0xC], $0x4000, $0x38;
	[tilespmem:$0x18900] =	vst v63  }
0x112: {  	_ =	swait.ge [sflag:s20], $0x4000  }
0x113: {  	[sflag:s20] =	ssyncset.done $0x0  }
0x114: {  	[sflag:s20] =	ssyncadd.s32 $0xFFFFC000  }
0x115: {  	_ =	swait.ge [sflag:s26], $0x4000  }
0x116: {  	[sflag:s26] =	ssyncset.done $0x0  }
0x117: {  	[sflag:s26] =	ssyncadd.s32 $0xFFFFC000  }
0x118: {  	_ =	swait.ge [sflag:s22], $0x4000  }
0x119: {  	[sflag:s22] =	ssyncset.done $0x0  }
0x11a: {  	[sflag:s22] =	ssyncadd.s32 $0xFFFFC000  }
0x11b: {  	_ =	swait.ge [sflag:s4], $0x4000  }
0x11c: {  	[sflag:s4] =	ssyncset.done $0x0  }
0x11d: {  	[sflag:s4] =	ssyncadd.s32 $0xFFFFC000  }
0x11e: {  	_ =	swait.ge [sflag:s7], $0x4000  }
0x11f: {  	[sflag:s7] =	ssyncset.done $0x0  }
0x120: {  	[sflag:s7] =	ssyncadd.s32 $0xFFFFC000  }
0x121: {  	_ =	swait.ge [sflag:s9], $0x4000  }
0x122: {  	s10 =	sadd.s32 $0x1, s10;
	s13 =	rddreg [dreg:$0x5]  }
0x123: {  	p0 =	sne.s32 s10, s13  }
.Ltmp1:
0x124: {  	_ = 	snop;
	(pc) =	sbr.rel @p0 .LBB2_1-.Ltmp1, $3  }
0x125: {  	_ =	sdelay $0x1  }
0x126: {  	[sflag:s9] =	ssyncset.done $0x0  }
0x127: {  	[sflag:s9] =	ssyncadd.s32 $0xFFFFC000  }
0x128: {  	_ =	sfence.sel $0x180000  }
0x129: {  	[bflag:$0x0] =	sbarrier.arrive $0xFFFF  }
0x12a: {  	_ =	strace $0x90000047  }
0x12b: {  	s0 =	stileid.u32;
	[bflag:$0x2] =	sbarrier.arrive $0xFFFF  }
0x12c: {  	p0 =	sne.s32 s0, $0x0;
	s0 =	rddreg [dreg:$0x3]  }
0x12d: {  	s0 =	sadd.s32 @!p0 $0x100000, s0  }
0x12e: {  	[sflag:s0] =	ssyncadd.tile.s32 @!p0 $0x1;
	_ =	shalt  }
.Lfunc_end2:
_tile_overlayer_lowered:
.L_overlay_start_2:
0x12f: {  	(tag) =	ssettag $0x2  }
0x130: {  	s0 =	rddreg [dreg:$0x0];
	s2 =	stileid.u32  }
0x131: {  	s1 =	rddreg [dreg:$0x1];
	p0 =	sne.s32 s2, $0x0  }
0x132: {  	s3 =	rddreg [dreg:$0x2];
	[bflag:$0x3] =	sbarrier.arrive $0xFFFF;
	s2 =	simm.s32 @!p0 $0x1C0D  }
0x133: {  	[timem:s3], [sflag:s2] =	dma.local @!p0 [hbm:s0], s1  }
0x134: {  	s0 =	simm.s32 @!p0 $0xD  }
0x135: {  	_ =	swait.ge @!p0 [sflag:s0], s1  }
0x136: {  	s1 =	ssub.s32 @!p0 $0x0, s1;
	[sflag:s0] =	ssyncset.done @!p0 $0x0  }
0x137: {  	[sflag:s0] =	ssyncadd.s32 @!p0 s1  }
0x138: {  	[bflag:$0x3] =	sbarrier.arrive $0xFFFF  }
0x139: {  	_ =	shalt  }

</sc_bundles>
